<compile_context>
chip_gen: v7x
topology: tpu7x:2x2x1
jax: 0.10.2.dev20260603
libtpu: 0.0.44.dev20260713+nightly
codegen_flags: <defaults>
</compile_context>

<pallas_src>
import math

import jax
import jax.numpy as jnp
from jax import lax
from jax.experimental import pallas as pl
from jax.experimental.pallas import tpu as pltpu
from jax.experimental.pallas import tpu_sc as plsc

VOCAB_SIZE = 1000000
EMB_SIZE = 64
BATCH = 4096
SEQ_LEN = 200

NUM_CORES = 2
NUM_SUBCORES = 16
NUM_WORKERS = NUM_CORES * NUM_SUBCORES
SEQ_PER_WORKER = BATCH // NUM_WORKERS
LANES = 16
SCALE = math.sqrt(EMB_SIZE)


def _body(tok_hbm, emb_hbm, pe_hbm, out_hbm,
          pe_v, idx_v, rows_v, gsem0, gsem1, osem0, osem1):
    cid = lax.axis_index("c")
    sid = lax.axis_index("s")
    wid = sid * NUM_CORES + cid
    base = wid * SEQ_PER_WORKER

    gsem = (gsem0, gsem1)
    osem = (osem0, osem1)

    pltpu.sync_copy(pe_hbm, pe_v)
    pltpu.sync_copy(tok_hbm.at[pl.ds(base, SEQ_PER_WORKER)], idx_v)

    def fire(cc, b):
        pltpu.async_copy(emb_hbm.at[idx_v.at[cc]], rows_v.at[b], gsem[b])

    def step(cc, b, do_owait, do_fire):
        if do_owait:
            pltpu.make_async_copy(rows_v.at[1 - b], out_hbm.at[base],
                                  osem[1 - b]).wait()
        if do_fire:
            fire(cc + 1, 1 - b)
        pltpu.make_async_copy(emb_hbm.at[pl.ds(0, SEQ_LEN)], rows_v.at[b],
                              gsem[b]).wait()

        @pl.loop(0, SEQ_LEN)
        def _pos_loop(p):
            for j in range(EMB_SIZE // LANES):
                sl = pl.ds(j * LANES, LANES)
                rows_v[b, p, sl] = rows_v[b, p, sl] * SCALE + pe_v[p, sl]

        pltpu.async_copy(rows_v.at[b], out_hbm.at[base + cc], osem[b])

    fire(0, 0)
    step(0, 0, do_owait=False, do_fire=True)

    @pl.loop(1, SEQ_PER_WORKER - 1, step=2)
    def _seq_loop(c):
        step(c, 1, do_owait=True, do_fire=True)
        step(c + 1, 0, do_owait=True, do_fire=True)

    step(SEQ_PER_WORKER - 1, 1, do_owait=True, do_fire=False)
    pltpu.make_async_copy(rows_v.at[1], out_hbm.at[base], osem[1]).wait()


def kernel(tokens, embedding, positional_embedding):
    pe = positional_embedding[0, :SEQ_LEN]

    run = pl.kernel(
        _body,
        out_type=jax.ShapeDtypeStruct((BATCH, SEQ_LEN, EMB_SIZE), jnp.float32),
        mesh=plsc.VectorSubcoreMesh(core_axis_name="c", subcore_axis_name="s"),
        compiler_params=pltpu.CompilerParams(use_tc_tiling_on_sc=False),
        scratch_types=[
            pltpu.VMEM((SEQ_LEN, EMB_SIZE), jnp.float32),
            pltpu.VMEM((SEQ_PER_WORKER, SEQ_LEN), jnp.int32),
            pltpu.VMEM((2, SEQ_LEN, EMB_SIZE), jnp.float32),
            pltpu.SemaphoreType.DMA,
            pltpu.SemaphoreType.DMA,
            pltpu.SemaphoreType.DMA,
            pltpu.SemaphoreType.DMA,
        ],
    )
    return run(tokens.astype(jnp.int32), embedding, pe)

# --- scband reference (transcript-rebuilt; emitter-appended) ---
"""Pipeline reference for scband-token-embedding-57363583205839 (READ-ONLY COPY).

The authoritative reference and input builder live on the scoring server;
editing this copy changes nothing except your own understanding.
"""

import jax, jax.numpy as jnp
import numpy as np
import math

VOCAB_SIZE = 1000000
EMB_SIZE = 64
MAX_LEN = 200
BATCH = 4096
SEQ_LEN = 200


def setup_inputs(seed: int = 0) -> dict:
    key = jax.random.key(seed)
    k_tok, k_emb, k_pos = jax.random.split(key, 3)
    tokens = jax.random.randint(k_tok, (BATCH, SEQ_LEN), 0, VOCAB_SIZE, dtype=jnp.int64 if jax.config.read('jax_enable_x64') else jnp.int32)
    embedding = jax.random.normal(k_emb, (VOCAB_SIZE, EMB_SIZE), dtype=jnp.float32)
    positional_embedding = jax.random.normal(k_pos, (1, MAX_LEN + 2, EMB_SIZE), dtype=jnp.float32)
    return {"tokens": tokens, "embedding": embedding, "positional_embedding": positional_embedding}


def reference(tokens, embedding, positional_embedding):
    # x = self.embedding(tokens.long()) * sqrt(emb_size)
    x = jnp.take(embedding, tokens, axis=0) * math.sqrt(EMB_SIZE)
    x_batch_size = x.shape[0]
    x_seq_len = x.shape[1]
    # learn_pos == True branch
    pe = positional_embedding[:, :x_seq_len]
    pe_stack = jnp.tile(pe, (x_batch_size, 1, 1))
    return x + pe_stack

if __name__ == "__main__":
    import jax
    _d = setup_inputs()
    print(jax.jit(kernel)(*tuple(_d.values())))

</pallas_src>

<mosaic_0001>
#map = affine_map<(d0, d1) -> (0, 0)>
#map1 = affine_map<(d0, d1) -> (0, 0, 0)>
module attributes {stable_mosaic.version = 14 : i64} {
  func.func @_body(%arg0: i32, %arg1: i32, %arg2: memref<4096x200xi32, #tpu.memory_space<hbm>>, %arg3: memref<1000000x64xf32, #tpu.memory_space<hbm>>, %arg4: memref<200x64xf32, #tpu.memory_space<hbm>>, %arg5: memref<4096x200x64xf32, #tpu.memory_space<hbm>>, %arg6: memref<200x64xf32, #tpu.memory_space<vmem>>, %arg7: memref<128x200xi32, #tpu.memory_space<vmem>>, %arg8: memref<2x200x64xf32, #tpu.memory_space<vmem>>, %arg9: memref<!tpu.dma_semaphore, #tpu.memory_space<semaphore_mem>>, %arg10: memref<!tpu.dma_semaphore, #tpu.memory_space<semaphore_mem>>, %arg11: memref<!tpu.dma_semaphore, #tpu.memory_space<semaphore_mem>>, %arg12: memref<!tpu.dma_semaphore, #tpu.memory_space<semaphore_mem>>) attributes {dimension_semantics = [#tpu.dimension_semantics<core_parallel>, #tpu.dimension_semantics<subcore_parallel>], iteration_bounds = array<i64: 2, 16>, scalar_prefetch = 0 : i64, scratch_operands = 7 : i64, tpu.core_type = #tpu.core_type<sc_vector_subcore>, window_params = [{transform_indices = #map}, {transform_indices = #map}, {transform_indices = #map}, {transform_indices = #map1}]} {
    %mul3A = arith.constant 2 : i32
    %mul3A_0 = arith.muli %arg1, %mul3A : i32
    %add3A = arith.addi %mul3A_0, %arg0 : i32
    %mul3A_1 = arith.constant 128 : i32
    %mul3A_2 = arith.muli %add3A, %mul3A_1 : i32
    "tpu.region"() ({
      %run_scoped3A = tpu.sem_alloc : memref<!tpu.dma_semaphore, #tpu.memory_space<semaphore_mem>>
      tpu.enqueue_dma source(%arg4 : memref<200x64xf32, #tpu.memory_space<hbm>>) target(%arg6 : memref<200x64xf32, #tpu.memory_space<vmem>>) target_semaphore(%run_scoped3A : memref<!tpu.dma_semaphore, #tpu.memory_space<semaphore_mem>>)
      tpu.wait_dma2 semaphore(%run_scoped3A : memref<!tpu.dma_semaphore, #tpu.memory_space<semaphore_mem>>) src(%arg4 : memref<200x64xf32, #tpu.memory_space<hbm>>) dst(%arg6 : memref<200x64xf32, #tpu.memory_space<vmem>>)
      tpu.yield
    }) : () -> ()
    "tpu.region"() ({
      %run_scoped3A = tpu.sem_alloc : memref<!tpu.dma_semaphore, #tpu.memory_space<semaphore_mem>>
      %dma_start3A_141 = arith.constant 0 : i32
      %dma_start3A_142 = tpu.memref_slice %arg2[%mul3A_2, %dma_start3A_141] : memref<4096x200xi32, #tpu.memory_space<hbm>> -> memref<128x200xi32, #tpu.memory_space<hbm>>
      %dma_start3A_143 = arith.constant 0 : i32
      %dma_start3A_144 = tpu.memref_slice %arg2[%mul3A_2, %dma_start3A_143] : memref<4096x200xi32, #tpu.memory_space<hbm>> -> memref<128x200xi32, #tpu.memory_space<hbm>>
      tpu.enqueue_dma source(%dma_start3A_144 : memref<128x200xi32, #tpu.memory_space<hbm>>) target(%arg7 : memref<128x200xi32, #tpu.memory_space<vmem>>) target_semaphore(%run_scoped3A : memref<!tpu.dma_semaphore, #tpu.memory_space<semaphore_mem>>)
      %dma_wait3A_145 = arith.constant 0 : i32
      %dma_wait3A_146 = tpu.memref_slice %arg2[%mul3A_2, %dma_wait3A_145] : memref<4096x200xi32, #tpu.memory_space<hbm>> -> memref<128x200xi32, #tpu.memory_space<hbm>>
      %dma_wait3A_147 = arith.constant 0 : i32
      %dma_wait3A_148 = tpu.memref_slice %arg2[%mul3A_2, %dma_wait3A_147] : memref<4096x200xi32, #tpu.memory_space<hbm>> -> memref<128x200xi32, #tpu.memory_space<hbm>>
      tpu.wait_dma2 semaphore(%run_scoped3A : memref<!tpu.dma_semaphore, #tpu.memory_space<semaphore_mem>>) src(%dma_wait3A_148 : memref<128x200xi32, #tpu.memory_space<hbm>>) dst(%arg7 : memref<128x200xi32, #tpu.memory_space<vmem>>)
      tpu.yield
    }) : () -> ()
    %dma_start3A = arith.constant 0 : i32
    %dma_start3A_3 = arith.constant 0 : i32
    %dma_start3A_4 = arith.constant 0 : i32
    %dma_start3A_5 = arith.constant 0 : i32
    %dma_start3A_6 = tpu.memref_slice %arg8[%dma_start3A_3, %dma_start3A_4, %dma_start3A_5] : memref<2x200x64xf32, #tpu.memory_space<vmem>> -> memref<1x200x64xf32, #tpu.memory_space<vmem>>
    %dma_start3A_7 = tpu.memref_squeeze %dma_start3A_6 : memref<1x200x64xf32, #tpu.memory_space<vmem>> -> memref<200x64xf32, #tpu.memory_space<vmem>>
    %dma_start3A_8 = arith.constant 0 : i32
    %dma_start3A_9 = tpu.memref_slice %arg7[%dma_start3A, %dma_start3A_8] : memref<128x200xi32, #tpu.memory_space<vmem>> -> memref<1x200xi32, #tpu.memory_space<vmem>>
    %dma_start3A_10 = tpu.memref_squeeze %dma_start3A_9 : memref<1x200xi32, #tpu.memory_space<vmem>> -> memref<200xi32, #tpu.memory_space<vmem>>
    %dma_start3A_11 = arith.constant 0 : i32
    %dma_start3A_12 = arith.constant 0 : i32
    %dma_start3A_13 = tpu.memref_slice %arg3[%dma_start3A_11, %dma_start3A_12] : memref<1000000x64xf32, #tpu.memory_space<hbm>> -> memref<1000000x64xf32, #tpu.memory_space<hbm>>
    tpu.enqueue_indirect_dma source(%dma_start3A_13 : memref<1000000x64xf32, #tpu.memory_space<hbm>>) target(%dma_start3A_7 : memref<200x64xf32, #tpu.memory_space<vmem>>) offsets(%dma_start3A_10 : memref<200xi32, #tpu.memory_space<vmem>>) semaphore(%arg9 : memref<!tpu.dma_semaphore, #tpu.memory_space<semaphore_mem>>)
    %dma_start3A_14 = arith.constant 1 : i32
    %dma_start3A_15 = arith.constant 1 : i32
    %dma_start3A_16 = arith.constant 0 : i32
    %dma_start3A_17 = arith.constant 0 : i32
    %dma_start3A_18 = tpu.memref_slice %arg8[%dma_start3A_15, %dma_start3A_16, %dma_start3A_17] : memref<2x200x64xf32, #tpu.memory_space<vmem>> -> memref<1x200x64xf32, #tpu.memory_space<vmem>>
    %dma_start3A_19 = tpu.memref_squeeze %dma_start3A_18 : memref<1x200x64xf32, #tpu.memory_space<vmem>> -> memref<200x64xf32, #tpu.memory_space<vmem>>
    %dma_start3A_20 = arith.constant 0 : i32
    %dma_start3A_21 = tpu.memref_slice %arg7[%dma_start3A_14, %dma_start3A_20] : memref<128x200xi32, #tpu.memory_space<vmem>> -> memref<1x200xi32, #tpu.memory_space<vmem>>
    %dma_start3A_22 = tpu.memref_squeeze %dma_start3A_21 : memref<1x200xi32, #tpu.memory_space<vmem>> -> memref<200xi32, #tpu.memory_space<vmem>>
    %dma_start3A_23 = arith.constant 0 : i32
    %dma_start3A_24 = arith.constant 0 : i32
    %dma_start3A_25 = tpu.memref_slice %arg3[%dma_start3A_23, %dma_start3A_24] : memref<1000000x64xf32, #tpu.memory_space<hbm>> -> memref<1000000x64xf32, #tpu.memory_space<hbm>>
    tpu.enqueue_indirect_dma source(%dma_start3A_25 : memref<1000000x64xf32, #tpu.memory_space<hbm>>) target(%dma_start3A_19 : memref<200x64xf32, #tpu.memory_space<vmem>>) offsets(%dma_start3A_22 : memref<200xi32, #tpu.memory_space<vmem>>) semaphore(%arg10 : memref<!tpu.dma_semaphore, #tpu.memory_space<semaphore_mem>>)
    %dma_wait3A = arith.constant 0 : i32
    %dma_wait3A_26 = arith.constant 0 : i32
    %dma_wait3A_27 = arith.constant 0 : i32
    %dma_wait3A_28 = tpu.memref_slice %arg8[%dma_wait3A, %dma_wait3A_26, %dma_wait3A_27] : memref<2x200x64xf32, #tpu.memory_space<vmem>> -> memref<1x200x64xf32, #tpu.memory_space<vmem>>
    %dma_wait3A_29 = tpu.memref_squeeze %dma_wait3A_28 : memref<1x200x64xf32, #tpu.memory_space<vmem>> -> memref<200x64xf32, #tpu.memory_space<vmem>>
    %dma_wait3A_30 = arith.constant 0 : i32
    %dma_wait3A_31 = arith.constant 0 : i32
    %dma_wait3A_32 = tpu.memref_slice %arg3[%dma_wait3A_30, %dma_wait3A_31] : memref<1000000x64xf32, #tpu.memory_space<hbm>> -> memref<200x64xf32, #tpu.memory_space<hbm>>
    %dma_wait3A_33 = arith.constant 0 : i32
    %dma_wait3A_34 = arith.constant 0 : i32
    %dma_wait3A_35 = tpu.memref_slice %arg8[%dma_wait3A, %dma_wait3A_33, %dma_wait3A_34] : memref<2x200x64xf32, #tpu.memory_space<vmem>> -> memref<1x200x64xf32, #tpu.memory_space<vmem>>
    %dma_wait3A_36 = tpu.memref_squeeze %dma_wait3A_35 : memref<1x200x64xf32, #tpu.memory_space<vmem>> -> memref<200x64xf32, #tpu.memory_space<vmem>>
    %dma_wait3A_37 = arith.constant 0 : i32
    %dma_wait3A_38 = arith.constant 0 : i32
    %dma_wait3A_39 = tpu.memref_slice %arg3[%dma_wait3A_37, %dma_wait3A_38] : memref<1000000x64xf32, #tpu.memory_space<hbm>> -> memref<200x64xf32, #tpu.memory_space<hbm>>
    tpu.wait_dma2 semaphore(%arg9 : memref<!tpu.dma_semaphore, #tpu.memory_space<semaphore_mem>>) src(%dma_wait3A_39 : memref<200x64xf32, #tpu.memory_space<hbm>>) dst(%dma_wait3A_36 : memref<200x64xf32, #tpu.memory_space<vmem>>)
    %scan3A = arith.constant 0 : i32
    %scan3A_40 = arith.constant 200 : i32
    %scan3A_41 = arith.addi %scan3A, %scan3A_40 : i32
    %scan3A_42 = arith.constant 1 : i32
    scf.for %scan3A_141 = %scan3A to %scan3A_41 step %scan3A_42  : i32 {
      %mul3A_142 = arith.constant 1 : i32
      %mul3A_143 = arith.muli %scan3A_141, %mul3A_142 : i32
      %add3A_144 = arith.constant 0 : i32
      %add3A_145 = arith.addi %add3A_144, %mul3A_143 : i32
      %get3A = arith.constant 0 : i32
      %get3A_146 = arith.index_cast %get3A : i32 to index
      %get3A_147 = arith.index_cast %add3A_145 : i32 to index
      %get3A_148 = arith.constant 0 : index
      %get3A_149 = tpu.vector_load %arg8[%get3A_146, %get3A_147, %get3A_148] {strides = array<i32>} : memref<2x200x64xf32, #tpu.memory_space<vmem>>, vector<1x1x16xf32>,
      %get3A_150 = vector.shape_cast %get3A_149 : vector<1x1x16xf32> to vector<16xf32>
      %mul3A_151 = arith.constant 8.000000e+00 : f32
      %mul3A_152 = vector.broadcast %mul3A_151 : f32 to vector<16xf32>
      %mul3A_153 = arith.mulf %get3A_150, %mul3A_152 : vector<16xf32>
      %get3A_154 = arith.index_cast %add3A_145 : i32 to index
      %get3A_155 = arith.constant 0 : index
      %get3A_156 = tpu.vector_load %arg6[%get3A_154, %get3A_155] {strides = array<i32>} : memref<200x64xf32, #tpu.memory_space<vmem>>, vector<1x16xf32>,
      %get3A_157 = vector.shape_cast %get3A_156 : vector<1x16xf32> to vector<16xf32>
      %add3A_158 = arith.addf %mul3A_153, %get3A_157 : vector<16xf32>
      %swap3A = arith.constant 0 : i32
      %swap3A_159 = arith.index_cast %swap3A : i32 to index
      %swap3A_160 = arith.index_cast %add3A_145 : i32 to index
      %swap3A_161 = arith.constant 0 : index
      %swap3A_162 = tpu.vector_load %arg8[%swap3A_159, %swap3A_160, %swap3A_161] {strides = array<i32>} : memref<2x200x64xf32, #tpu.memory_space<vmem>>, vector<1x1x16xf32>,
      %swap3A_163 = vector.shape_cast %swap3A_162 : vector<1x1x16xf32> to vector<16xf32>
      %swap3A_164 = vector.shape_cast %add3A_158 : vector<16xf32> to vector<1x1x16xf32>
      tpu.vector_store %arg8[%swap3A_159, %swap3A_160, %swap3A_161], %swap3A_164 {strides = array<i32>} : memref<2x200x64xf32, #tpu.memory_space<vmem>>, vector<1x1x16xf32>,
      %get3A_165 = arith.constant 0 : i32
      %get3A_166 = arith.index_cast %get3A_165 : i32 to index
      %get3A_167 = arith.index_cast %add3A_145 : i32 to index
      %get3A_168 = arith.constant 16 : index
      %get3A_169 = tpu.vector_load %arg8[%get3A_166, %get3A_167, %get3A_168] {strides = array<i32>} : memref<2x200x64xf32, #tpu.memory_space<vmem>>, vector<1x1x16xf32>,
      %get3A_170 = vector.shape_cast %get3A_169 : vector<1x1x16xf32> to vector<16xf32>
      %mul3A_171 = arith.constant 8.000000e+00 : f32
      %mul3A_172 = vector.broadcast %mul3A_171 : f32 to vector<16xf32>
      %mul3A_173 = arith.mulf %get3A_170, %mul3A_172 : vector<16xf32>
      %get3A_174 = arith.index_cast %add3A_145 : i32 to index
      %get3A_175 = arith.constant 16 : index
      %get3A_176 = tpu.vector_load %arg6[%get3A_174, %get3A_175] {strides = array<i32>} : memref<200x64xf32, #tpu.memory_space<vmem>>, vector<1x16xf32>,
      %get3A_177 = vector.shape_cast %get3A_176 : vector<1x16xf32> to vector<16xf32>
      %add3A_178 = arith.addf %mul3A_173, %get3A_177 : vector<16xf32>
      %swap3A_179 = arith.constant 0 : i32
      %swap3A_180 = arith.index_cast %swap3A_179 : i32 to index
      %swap3A_181 = arith.index_cast %add3A_145 : i32 to index
      %swap3A_182 = arith.constant 16 : index
      %swap3A_183 = tpu.vector_load %arg8[%swap3A_180, %swap3A_181, %swap3A_182] {strides = array<i32>} : memref<2x200x64xf32, #tpu.memory_space<vmem>>, vector<1x1x16xf32>,
      %swap3A_184 = vector.shape_cast %swap3A_183 : vector<1x1x16xf32> to vector<16xf32>
      %swap3A_185 = vector.shape_cast %add3A_178 : vector<16xf32> to vector<1x1x16xf32>
      tpu.vector_store %arg8[%swap3A_180, %swap3A_181, %swap3A_182], %swap3A_185 {strides = array<i32>} : memref<2x200x64xf32, #tpu.memory_space<vmem>>, vector<1x1x16xf32>,
      %get3A_186 = arith.constant 0 : i32
      %get3A_187 = arith.index_cast %get3A_186 : i32 to index
      %get3A_188 = arith.index_cast %add3A_145 : i32 to index
      %get3A_189 = arith.constant 32 : index
      %get3A_190 = tpu.vector_load %arg8[%get3A_187, %get3A_188, %get3A_189] {strides = array<i32>} : memref<2x200x64xf32, #tpu.memory_space<vmem>>, vector<1x1x16xf32>,
      %get3A_191 = vector.shape_cast %get3A_190 : vector<1x1x16xf32> to vector<16xf32>
      %mul3A_192 = arith.constant 8.000000e+00 : f32
      %mul3A_193 = vector.broadcast %mul3A_192 : f32 to vector<16xf32>
      %mul3A_194 = arith.mulf %get3A_191, %mul3A_193 : vector<16xf32>
      %get3A_195 = arith.index_cast %add3A_145 : i32 to index
      %get3A_196 = arith.constant 32 : index
      %get3A_197 = tpu.vector_load %arg6[%get3A_195, %get3A_196] {strides = array<i32>} : memref<200x64xf32, #tpu.memory_space<vmem>>, vector<1x16xf32>,
      %get3A_198 = vector.shape_cast %get3A_197 : vector<1x16xf32> to vector<16xf32>
      %add3A_199 = arith.addf %mul3A_194, %get3A_198 : vector<16xf32>
      %swap3A_200 = arith.constant 0 : i32
      %swap3A_201 = arith.index_cast %swap3A_200 : i32 to index
      %swap3A_202 = arith.index_cast %add3A_145 : i32 to index
      %swap3A_203 = arith.constant 32 : index
      %swap3A_204 = tpu.vector_load %arg8[%swap3A_201, %swap3A_202, %swap3A_203] {strides = array<i32>} : memref<2x200x64xf32, #tpu.memory_space<vmem>>, vector<1x1x16xf32>,
      %swap3A_205 = vector.shape_cast %swap3A_204 : vector<1x1x16xf32> to vector<16xf32>
      %swap3A_206 = vector.shape_cast %add3A_199 : vector<16xf32> to vector<1x1x16xf32>
      tpu.vector_store %arg8[%swap3A_201, %swap3A_202, %swap3A_203], %swap3A_206 {strides = array<i32>} : memref<2x200x64xf32, #tpu.memory_space<vmem>>, vector<1x1x16xf32>,
      %get3A_207 = arith.constant 0 : i32
      %get3A_208 = arith.index_cast %get3A_207 : i32 to index
      %get3A_209 = arith.index_cast %add3A_145 : i32 to index
      %get3A_210 = arith.constant 48 : index
      %get3A_211 = tpu.vector_load %arg8[%get3A_208, %get3A_209, %get3A_210] {strides = array<i32>} : memref<2x200x64xf32, #tpu.memory_space<vmem>>, vector<1x1x16xf32>,
      %get3A_212 = vector.shape_cast %get3A_211 : vector<1x1x16xf32> to vector<16xf32>
      %mul3A_213 = arith.constant 8.000000e+00 : f32
      %mul3A_214 = vector.broadcast %mul3A_213 : f32 to vector<16xf32>
      %mul3A_215 = arith.mulf %get3A_212, %mul3A_214 : vector<16xf32>
      %get3A_216 = arith.index_cast %add3A_145 : i32 to index
      %get3A_217 = arith.constant 48 : index
      %get3A_218 = tpu.vector_load %arg6[%get3A_216, %get3A_217] {strides = array<i32>} : memref<200x64xf32, #tpu.memory_space<vmem>>, vector<1x16xf32>,
      %get3A_219 = vector.shape_cast %get3A_218 : vector<1x16xf32> to vector<16xf32>
      %add3A_220 = arith.addf %mul3A_215, %get3A_219 : vector<16xf32>
      %swap3A_221 = arith.constant 0 : i32
      %swap3A_222 = arith.index_cast %swap3A_221 : i32 to index
      %swap3A_223 = arith.index_cast %add3A_145 : i32 to index
      %swap3A_224 = arith.constant 48 : index
      %swap3A_225 = tpu.vector_load %arg8[%swap3A_222, %swap3A_223, %swap3A_224] {strides = array<i32>} : memref<2x200x64xf32, #tpu.memory_space<vmem>>, vector<1x1x16xf32>,
      %swap3A_226 = vector.shape_cast %swap3A_225 : vector<1x1x16xf32> to vector<16xf32>
      %swap3A_227 = vector.shape_cast %add3A_220 : vector<16xf32> to vector<1x1x16xf32>
      tpu.vector_store %arg8[%swap3A_222, %swap3A_223, %swap3A_224], %swap3A_227 {strides = array<i32>} : memref<2x200x64xf32, #tpu.memory_space<vmem>>, vector<1x1x16xf32>,
    }
    %scan3A_43 = arith.constant 200 : i32
    %add3A_44 = arith.constant 0 : i32
    %add3A_45 = arith.addi %mul3A_2, %add3A_44 : i32
    %dma_start3A_46 = arith.constant 0 : i32
    %dma_start3A_47 = arith.constant 0 : i32
    %dma_start3A_48 = arith.constant 0 : i32
    %dma_start3A_49 = tpu.memref_slice %arg8[%dma_start3A_46, %dma_start3A_47, %dma_start3A_48] : memref<2x200x64xf32, #tpu.memory_space<vmem>> -> memref<1x200x64xf32, #tpu.memory_space<vmem>>
    %dma_start3A_50 = tpu.memref_squeeze %dma_start3A_49 : memref<1x200x64xf32, #tpu.memory_space<vmem>> -> memref<200x64xf32, #tpu.memory_space<vmem>>
    %dma_start3A_51 = arith.constant 0 : i32
    %dma_start3A_52 = arith.constant 0 : i32
    %dma_start3A_53 = tpu.memref_slice %arg5[%add3A_45, %dma_start3A_51, %dma_start3A_52] : memref<4096x200x64xf32, #tpu.memory_space<hbm>> -> memref<1x200x64xf32, #tpu.memory_space<hbm>>
    %dma_start3A_54 = tpu.memref_squeeze %dma_start3A_53 : memref<1x200x64xf32, #tpu.memory_space<hbm>> -> memref<200x64xf32, #tpu.memory_space<hbm>>
    %dma_start3A_55 = arith.constant 0 : i32
    %dma_start3A_56 = arith.constant 0 : i32
    %dma_start3A_57 = tpu.memref_slice %arg5[%add3A_45, %dma_start3A_55, %dma_start3A_56] : memref<4096x200x64xf32, #tpu.memory_space<hbm>> -> memref<1x200x64xf32, #tpu.memory_space<hbm>>
    %dma_start3A_58 = tpu.memref_squeeze %dma_start3A_57 : memref<1x200x64xf32, #tpu.memory_space<hbm>> -> memref<200x64xf32, #tpu.memory_space<hbm>>
    %dma_start3A_59 = arith.constant 0 : i32
    %dma_start3A_60 = arith.constant 0 : i32
    %dma_start3A_61 = tpu.memref_slice %arg8[%dma_start3A_46, %dma_start3A_59, %dma_start3A_60] : memref<2x200x64xf32, #tpu.memory_space<vmem>> -> memref<1x200x64xf32, #tpu.memory_space<vmem>>
    %dma_start3A_62 = tpu.memref_squeeze %dma_start3A_61 : memref<1x200x64xf32, #tpu.memory_space<vmem>> -> memref<200x64xf32, #tpu.memory_space<vmem>>
    tpu.enqueue_dma source(%dma_start3A_62 : memref<200x64xf32, #tpu.memory_space<vmem>>) target(%dma_start3A_58 : memref<200x64xf32, #tpu.memory_space<hbm>>) target_semaphore(%arg11 : memref<!tpu.dma_semaphore, #tpu.memory_space<semaphore_mem>>)
    %scan3A_63 = arith.constant 0 : i32
    %scan3A_64 = arith.constant 63 : i32
    %scan3A_65 = arith.addi %scan3A_63, %scan3A_64 : i32
    %scan3A_66 = arith.constant 1 : i32
    scf.for %scan3A_141 = %scan3A_63 to %scan3A_65 step %scan3A_66  : i32 {
      %mul3A_142 = arith.constant 2 : i32
      %mul3A_143 = arith.muli %scan3A_141, %mul3A_142 : i32
      %add3A_144 = arith.constant 1 : i32
      %add3A_145 = arith.addi %add3A_144, %mul3A_143 : i32
      %dma_wait3A_146 = arith.constant 0 : i32
      %dma_wait3A_147 = arith.constant 0 : i32
      %dma_wait3A_148 = arith.constant 0 : i32
      %dma_wait3A_149 = tpu.memref_slice %arg8[%dma_wait3A_146, %dma_wait3A_147, %dma_wait3A_148] : memref<2x200x64xf32, #tpu.memory_space<vmem>> -> memref<1x200x64xf32, #tpu.memory_space<vmem>>
      %dma_wait3A_150 = tpu.memref_squeeze %dma_wait3A_149 : memref<1x200x64xf32, #tpu.memory_space<vmem>> -> memref<200x64xf32, #tpu.memory_space<vmem>>
      %dma_wait3A_151 = arith.constant 0 : i32
      %dma_wait3A_152 = arith.constant 0 : i32
      %dma_wait3A_153 = tpu.memref_slice %arg5[%mul3A_2, %dma_wait3A_151, %dma_wait3A_152] : memref<4096x200x64xf32, #tpu.memory_space<hbm>> -> memref<1x200x64xf32, #tpu.memory_space<hbm>>
      %dma_wait3A_154 = tpu.memref_squeeze %dma_wait3A_153 : memref<1x200x64xf32, #tpu.memory_space<hbm>> -> memref<200x64xf32, #tpu.memory_space<hbm>>
      %dma_wait3A_155 = arith.constant 0 : i32
      %dma_wait3A_156 = arith.constant 0 : i32
      %dma_wait3A_157 = tpu.memref_slice %arg5[%mul3A_2, %dma_wait3A_155, %dma_wait3A_156] : memref<4096x200x64xf32, #tpu.memory_space<hbm>> -> memref<1x200x64xf32, #tpu.memory_space<hbm>>
      %dma_wait3A_158 = tpu.memref_squeeze %dma_wait3A_157 : memref<1x200x64xf32, #tpu.memory_space<hbm>> -> memref<200x64xf32, #tpu.memory_space<hbm>>
      %dma_wait3A_159 = arith.constant 0 : i32
      %dma_wait3A_160 = arith.constant 0 : i32
      %dma_wait3A_161 = tpu.memref_slice %arg8[%dma_wait3A_146, %dma_wait3A_159, %dma_wait3A_160] : memref<2x200x64xf32, #tpu.memory_space<vmem>> -> memref<1x200x64xf32, #tpu.memory_space<vmem>>
      %dma_wait3A_162 = tpu.memref_squeeze %dma_wait3A_161 : memref<1x200x64xf32, #tpu.memory_space<vmem>> -> memref<200x64xf32, #tpu.memory_space<vmem>>
      tpu.wait_dma2 semaphore(%arg11 : memref<!tpu.dma_semaphore, #tpu.memory_space<semaphore_mem>>) src(%dma_wait3A_162 : memref<200x64xf32, #tpu.memory_space<vmem>>) dst(%dma_wait3A_158 : memref<200x64xf32, #tpu.memory_space<hbm>>)
      %add3A_163 = arith.constant 1 : i32
      %add3A_164 = arith.addi %add3A_145, %add3A_163 : i32
      %dma_start3A_165 = arith.constant 0 : i32
      %dma_start3A_166 = arith.constant 0 : i32
      %dma_start3A_167 = arith.constant 0 : i32
      %dma_start3A_168 = tpu.memref_slice %arg8[%dma_start3A_165, %dma_start3A_166, %dma_start3A_167] : memref<2x200x64xf32, #tpu.memory_space<vmem>> -> memref<1x200x64xf32, #tpu.memory_space<vmem>>
      %dma_start3A_169 = tpu.memref_squeeze %dma_start3A_168 : memref<1x200x64xf32, #tpu.memory_space<vmem>> -> memref<200x64xf32, #tpu.memory_space<vmem>>
      %dma_start3A_170 = arith.constant 0 : i32
      %dma_start3A_171 = tpu.memref_slice %arg7[%add3A_164, %dma_start3A_170] : memref<128x200xi32, #tpu.memory_space<vmem>> -> memref<1x200xi32, #tpu.memory_space<vmem>>
      %dma_start3A_172 = tpu.memref_squeeze %dma_start3A_171 : memref<1x200xi32, #tpu.memory_space<vmem>> -> memref<200xi32, #tpu.memory_space<vmem>>
      %dma_start3A_173 = arith.constant 0 : i32
      %dma_start3A_174 = arith.constant 0 : i32
      %dma_start3A_175 = tpu.memref_slice %arg3[%dma_start3A_173, %dma_start3A_174] : memref<1000000x64xf32, #tpu.memory_space<hbm>> -> memref<1000000x64xf32, #tpu.memory_space<hbm>>
      tpu.enqueue_indirect_dma source(%dma_start3A_175 : memref<1000000x64xf32, #tpu.memory_space<hbm>>) target(%dma_start3A_169 : memref<200x64xf32, #tpu.memory_space<vmem>>) offsets(%dma_start3A_172 : memref<200xi32, #tpu.memory_space<vmem>>) semaphore(%arg9 : memref<!tpu.dma_semaphore, #tpu.memory_space<semaphore_mem>>)
      %dma_wait3A_176 = arith.constant 1 : i32
      %dma_wait3A_177 = arith.constant 0 : i32
      %dma_wait3A_178 = arith.constant 0 : i32
      %dma_wait3A_179 = tpu.memref_slice %arg8[%dma_wait3A_176, %dma_wait3A_177, %dma_wait3A_178] : memref<2x200x64xf32, #tpu.memory_space<vmem>> -> memref<1x200x64xf32, #tpu.memory_space<vmem>>
      %dma_wait3A_180 = tpu.memref_squeeze %dma_wait3A_179 : memref<1x200x64xf32, #tpu.memory_space<vmem>> -> memref<200x64xf32, #tpu.memory_space<vmem>>
      %dma_wait3A_181 = arith.constant 0 : i32
      %dma_wait3A_182 = arith.constant 0 : i32
      %dma_wait3A_183 = tpu.memref_slice %arg3[%dma_wait3A_181, %dma_wait3A_182] : memref<1000000x64xf32, #tpu.memory_space<hbm>> -> memref<200x64xf32, #tpu.memory_space<hbm>>
      %dma_wait3A_184 = arith.constant 0 : i32
      %dma_wait3A_185 = arith.constant 0 : i32
      %dma_wait3A_186 = tpu.memref_slice %arg8[%dma_wait3A_176, %dma_wait3A_184, %dma_wait3A_185] : memref<2x200x64xf32, #tpu.memory_space<vmem>> -> memref<1x200x64xf32, #tpu.memory_space<vmem>>
      %dma_wait3A_187 = tpu.memref_squeeze %dma_wait3A_186 : memref<1x200x64xf32, #tpu.memory_space<vmem>> -> memref<200x64xf32, #tpu.memory_space<vmem>>
      %dma_wait3A_188 = arith.constant 0 : i32
      %dma_wait3A_189 = arith.constant 0 : i32
      %dma_wait3A_190 = tpu.memref_slice %arg3[%dma_wait3A_188, %dma_wait3A_189] : memref<1000000x64xf32, #tpu.memory_space<hbm>> -> memref<200x64xf32, #tpu.memory_space<hbm>>
      tpu.wait_dma2 semaphore(%arg10 : memref<!tpu.dma_semaphore, #tpu.memory_space<semaphore_mem>>) src(%dma_wait3A_190 : memref<200x64xf32, #tpu.memory_space<hbm>>) dst(%dma_wait3A_187 : memref<200x64xf32, #tpu.memory_space<vmem>>)
      %scan3A_191 = arith.constant 0 : i32
      %scan3A_192 = arith.constant 200 : i32
      %scan3A_193 = arith.addi %scan3A_191, %scan3A_192 : i32
      %scan3A_194 = arith.constant 1 : i32
      scf.for %scan3A_284 = %scan3A_191 to %scan3A_193 step %scan3A_194  : i32 {
        %mul3A_285 = arith.constant 1 : i32
        %mul3A_286 = arith.muli %scan3A_284, %mul3A_285 : i32
        %add3A_287 = arith.constant 0 : i32
        %add3A_288 = arith.addi %add3A_287, %mul3A_286 : i32
        %get3A = arith.constant 1 : i32
        %get3A_289 = arith.index_cast %get3A : i32 to index
        %get3A_290 = arith.index_cast %add3A_288 : i32 to index
        %get3A_291 = arith.constant 0 : index
        %get3A_292 = tpu.vector_load %arg8[%get3A_289, %get3A_290, %get3A_291] {strides = array<i32>} : memref<2x200x64xf32, #tpu.memory_space<vmem>>, vector<1x1x16xf32>,
        %get3A_293 = vector.shape_cast %get3A_292 : vector<1x1x16xf32> to vector<16xf32>
        %mul3A_294 = arith.constant 8.000000e+00 : f32
        %mul3A_295 = vector.broadcast %mul3A_294 : f32 to vector<16xf32>
        %mul3A_296 = arith.mulf %get3A_293, %mul3A_295 : vector<16xf32>
        %get3A_297 = arith.index_cast %add3A_288 : i32 to index
        %get3A_298 = arith.constant 0 : index
        %get3A_299 = tpu.vector_load %arg6[%get3A_297, %get3A_298] {strides = array<i32>} : memref<200x64xf32, #tpu.memory_space<vmem>>, vector<1x16xf32>,
        %get3A_300 = vector.shape_cast %get3A_299 : vector<1x16xf32> to vector<16xf32>
        %add3A_301 = arith.addf %mul3A_296, %get3A_300 : vector<16xf32>
        %swap3A = arith.constant 1 : i32
        %swap3A_302 = arith.index_cast %swap3A : i32 to index
        %swap3A_303 = arith.index_cast %add3A_288 : i32 to index
        %swap3A_304 = arith.constant 0 : index
        %swap3A_305 = tpu.vector_load %arg8[%swap3A_302, %swap3A_303, %swap3A_304] {strides = array<i32>} : memref<2x200x64xf32, #tpu.memory_space<vmem>>, vector<1x1x16xf32>,
        %swap3A_306 = vector.shape_cast %swap3A_305 : vector<1x1x16xf32> to vector<16xf32>
        %swap3A_307 = vector.shape_cast %add3A_301 : vector<16xf32> to vector<1x1x16xf32>
        tpu.vector_store %arg8[%swap3A_302, %swap3A_303, %swap3A_304], %swap3A_307 {strides = array<i32>} : memref<2x200x64xf32, #tpu.memory_space<vmem>>, vector<1x1x16xf32>,
        %get3A_308 = arith.constant 1 : i32
        %get3A_309 = arith.index_cast %get3A_308 : i32 to index
        %get3A_310 = arith.index_cast %add3A_288 : i32 to index
        %get3A_311 = arith.constant 16 : index
        %get3A_312 = tpu.vector_load %arg8[%get3A_309, %get3A_310, %get3A_311] {strides = array<i32>} : memref<2x200x64xf32, #tpu.memory_space<vmem>>, vector<1x1x16xf32>,
        %get3A_313 = vector.shape_cast %get3A_312 : vector<1x1x16xf32> to vector<16xf32>
        %mul3A_314 = arith.constant 8.000000e+00 : f32
        %mul3A_315 = vector.broadcast %mul3A_314 : f32 to vector<16xf32>
        %mul3A_316 = arith.mulf %get3A_313, %mul3A_315 : vector<16xf32>
        %get3A_317 = arith.index_cast %add3A_288 : i32 to index
        %get3A_318 = arith.constant 16 : index
        %get3A_319 = tpu.vector_load %arg6[%get3A_317, %get3A_318] {strides = array<i32>} : memref<200x64xf32, #tpu.memory_space<vmem>>, vector<1x16xf32>,
        %get3A_320 = vector.shape_cast %get3A_319 : vector<1x16xf32> to vector<16xf32>
        %add3A_321 = arith.addf %mul3A_316, %get3A_320 : vector<16xf32>
        %swap3A_322 = arith.constant 1 : i32
        %swap3A_323 = arith.index_cast %swap3A_322 : i32 to index
        %swap3A_324 = arith.index_cast %add3A_288 : i32 to index
        %swap3A_325 = arith.constant 16 : index
        %swap3A_326 = tpu.vector_load %arg8[%swap3A_323, %swap3A_324, %swap3A_325] {strides = array<i32>} : memref<2x200x64xf32, #tpu.memory_space<vmem>>, vector<1x1x16xf32>,
        %swap3A_327 = vector.shape_cast %swap3A_326 : vector<1x1x16xf32> to vector<16xf32>
        %swap3A_328 = vector.shape_cast %add3A_321 : vector<16xf32> to vector<1x1x16xf32>
        tpu.vector_store %arg8[%swap3A_323, %swap3A_324, %swap3A_325], %swap3A_328 {strides = array<i32>} : memref<2x200x64xf32, #tpu.memory_space<vmem>>, vector<1x1x16xf32>,
        %get3A_329 = arith.constant 1 : i32
        %get3A_330 = arith.index_cast %get3A_329 : i32 to index
        %get3A_331 = arith.index_cast %add3A_288 : i32 to index
        %get3A_332 = arith.constant 32 : index
        %get3A_333 = tpu.vector_load %arg8[%get3A_330, %get3A_331, %get3A_332] {strides = array<i32>} : memref<2x200x64xf32, #tpu.memory_space<vmem>>, vector<1x1x16xf32>,
        %get3A_334 = vector.shape_cast %get3A_333 : vector<1x1x16xf32> to vector<16xf32>
        %mul3A_335 = arith.constant 8.000000e+00 : f32
        %mul3A_336 = vector.broadcast %mul3A_335 : f32 to vector<16xf32>
        %mul3A_337 = arith.mulf %get3A_334, %mul3A_336 : vector<16xf32>
        %get3A_338 = arith.index_cast %add3A_288 : i32 to index
        %get3A_339 = arith.constant 32 : index
        %get3A_340 = tpu.vector_load %arg6[%get3A_338, %get3A_339] {strides = array<i32>} : memref<200x64xf32, #tpu.memory_space<vmem>>, vector<1x16xf32>,
        %get3A_341 = vector.shape_cast %get3A_340 : vector<1x16xf32> to vector<16xf32>
        %add3A_342 = arith.addf %mul3A_337, %get3A_341 : vector<16xf32>
        %swap3A_343 = arith.constant 1 : i32
        %swap3A_344 = arith.index_cast %swap3A_343 : i32 to index
        %swap3A_345 = arith.index_cast %add3A_288 : i32 to index
        %swap3A_346 = arith.constant 32 : index
        %swap3A_347 = tpu.vector_load %arg8[%swap3A_344, %swap3A_345, %swap3A_346] {strides = array<i32>} : memref<2x200x64xf32, #tpu.memory_space<vmem>>, vector<1x1x16xf32>,
        %swap3A_348 = vector.shape_cast %swap3A_347 : vector<1x1x16xf32> to vector<16xf32>
        %swap3A_349 = vector.shape_cast %add3A_342 : vector<16xf32> to vector<1x1x16xf32>
        tpu.vector_store %arg8[%swap3A_344, %swap3A_345, %swap3A_346], %swap3A_349 {strides = array<i32>} : memref<2x200x64xf32, #tpu.memory_space<vmem>>, vector<1x1x16xf32>,
        %get3A_350 = arith.constant 1 : i32
        %get3A_351 = arith.index_cast %get3A_350 : i32 to index
        %get3A_352 = arith.index_cast %add3A_288 : i32 to index
        %get3A_353 = arith.constant 48 : index
        %get3A_354 = tpu.vector_load %arg8[%get3A_351, %get3A_352, %get3A_353] {strides = array<i32>} : memref<2x200x64xf32, #tpu.memory_space<vmem>>, vector<1x1x16xf32>,
        %get3A_355 = vector.shape_cast %get3A_354 : vector<1x1x16xf32> to vector<16xf32>
        %mul3A_356 = arith.constant 8.000000e+00 : f32
        %mul3A_357 = vector.broadcast %mul3A_356 : f32 to vector<16xf32>
        %mul3A_358 = arith.mulf %get3A_355, %mul3A_357 : vector<16xf32>
        %get3A_359 = arith.index_cast %add3A_288 : i32 to index
        %get3A_360 = arith.constant 48 : index
        %get3A_361 = tpu.vector_load %arg6[%get3A_359, %get3A_360] {strides = array<i32>} : memref<200x64xf32, #tpu.memory_space<vmem>>, vector<1x16xf32>,
        %get3A_362 = vector.shape_cast %get3A_361 : vector<1x16xf32> to vector<16xf32>
        %add3A_363 = arith.addf %mul3A_358, %get3A_362 : vector<16xf32>
        %swap3A_364 = arith.constant 1 : i32
        %swap3A_365 = arith.index_cast %swap3A_364 : i32 to index
        %swap3A_366 = arith.index_cast %add3A_288 : i32 to index
        %swap3A_367 = arith.constant 48 : index
        %swap3A_368 = tpu.vector_load %arg8[%swap3A_365, %swap3A_366, %swap3A_367] {strides = array<i32>} : memref<2x200x64xf32, #tpu.memory_space<vmem>>, vector<1x1x16xf32>,
        %swap3A_369 = vector.shape_cast %swap3A_368 : vector<1x1x16xf32> to vector<16xf32>
        %swap3A_370 = vector.shape_cast %add3A_363 : vector<16xf32> to vector<1x1x16xf32>
        tpu.vector_store %arg8[%swap3A_365, %swap3A_366, %swap3A_367], %swap3A_370 {strides = array<i32>} : memref<2x200x64xf32, #tpu.memory_space<vmem>>, vector<1x1x16xf32>,
      }
      %scan3A_195 = arith.constant 200 : i32
      %add3A_196 = arith.addi %mul3A_2, %add3A_145 : i32
      %dma_start3A_197 = arith.constant 1 : i32
      %dma_start3A_198 = arith.constant 0 : i32
      %dma_start3A_199 = arith.constant 0 : i32
      %dma_start3A_200 = tpu.memref_slice %arg8[%dma_start3A_197, %dma_start3A_198, %dma_start3A_199] : memref<2x200x64xf32, #tpu.memory_space<vmem>> -> memref<1x200x64xf32, #tpu.memory_space<vmem>>
      %dma_start3A_201 = tpu.memref_squeeze %dma_start3A_200 : memref<1x200x64xf32, #tpu.memory_space<vmem>> -> memref<200x64xf32, #tpu.memory_space<vmem>>
      %dma_start3A_202 = arith.constant 0 : i32
      %dma_start3A_203 = arith.constant 0 : i32
      %dma_start3A_204 = tpu.memref_slice %arg5[%add3A_196, %dma_start3A_202, %dma_start3A_203] : memref<4096x200x64xf32, #tpu.memory_space<hbm>> -> memref<1x200x64xf32, #tpu.memory_space<hbm>>
      %dma_start3A_205 = tpu.memref_squeeze %dma_start3A_204 : memref<1x200x64xf32, #tpu.memory_space<hbm>> -> memref<200x64xf32, #tpu.memory_space<hbm>>
      %dma_start3A_206 = arith.constant 0 : i32
      %dma_start3A_207 = arith.constant 0 : i32
      %dma_start3A_208 = tpu.memref_slice %arg5[%add3A_196, %dma_start3A_206, %dma_start3A_207] : memref<4096x200x64xf32, #tpu.memory_space<hbm>> -> memref<1x200x64xf32, #tpu.memory_space<hbm>>
      %dma_start3A_209 = tpu.memref_squeeze %dma_start3A_208 : memref<1x200x64xf32, #tpu.memory_space<hbm>> -> memref<200x64xf32, #tpu.memory_space<hbm>>
      %dma_start3A_210 = arith.constant 0 : i32
      %dma_start3A_211 = arith.constant 0 : i32
      %dma_start3A_212 = tpu.memref_slice %arg8[%dma_start3A_197, %dma_start3A_210, %dma_start3A_211] : memref<2x200x64xf32, #tpu.memory_space<vmem>> -> memref<1x200x64xf32, #tpu.memory_space<vmem>>
      %dma_start3A_213 = tpu.memref_squeeze %dma_start3A_212 : memref<1x200x64xf32, #tpu.memory_space<vmem>> -> memref<200x64xf32, #tpu.memory_space<vmem>>
      tpu.enqueue_dma source(%dma_start3A_213 : memref<200x64xf32, #tpu.memory_space<vmem>>) target(%dma_start3A_209 : memref<200x64xf32, #tpu.memory_space<hbm>>) target_semaphore(%arg12 : memref<!tpu.dma_semaphore, #tpu.memory_space<semaphore_mem>>)
      %add3A_214 = arith.constant 1 : i32
      %add3A_215 = arith.addi %add3A_145, %add3A_214 : i32
      %dma_wait3A_216 = arith.constant 1 : i32
      %dma_wait3A_217 = arith.constant 0 : i32
      %dma_wait3A_218 = arith.constant 0 : i32
      %dma_wait3A_219 = tpu.memref_slice %arg8[%dma_wait3A_216, %dma_wait3A_217, %dma_wait3A_218] : memref<2x200x64xf32, #tpu.memory_space<vmem>> -> memref<1x200x64xf32, #tpu.memory_space<vmem>>
      %dma_wait3A_220 = tpu.memref_squeeze %dma_wait3A_219 : memref<1x200x64xf32, #tpu.memory_space<vmem>> -> memref<200x64xf32, #tpu.memory_space<vmem>>
      %dma_wait3A_221 = arith.constant 0 : i32
      %dma_wait3A_222 = arith.constant 0 : i32
      %dma_wait3A_223 = tpu.memref_slice %arg5[%mul3A_2, %dma_wait3A_221, %dma_wait3A_222] : memref<4096x200x64xf32, #tpu.memory_space<hbm>> -> memref<1x200x64xf32, #tpu.memory_space<hbm>>
      %dma_wait3A_224 = tpu.memref_squeeze %dma_wait3A_223 : memref<1x200x64xf32, #tpu.memory_space<hbm>> -> memref<200x64xf32, #tpu.memory_space<hbm>>
      %dma_wait3A_225 = arith.constant 0 : i32
      %dma_wait3A_226 = arith.constant 0 : i32
      %dma_wait3A_227 = tpu.memref_slice %arg5[%mul3A_2, %dma_wait3A_225, %dma_wait3A_226] : memref<4096x200x64xf32, #tpu.memory_space<hbm>> -> memref<1x200x64xf32, #tpu.memory_space<hbm>>
      %dma_wait3A_228 = tpu.memref_squeeze %dma_wait3A_227 : memref<1x200x64xf32, #tpu.memory_space<hbm>> -> memref<200x64xf32, #tpu.memory_space<hbm>>
      %dma_wait3A_229 = arith.constant 0 : i32
      %dma_wait3A_230 = arith.constant 0 : i32
      %dma_wait3A_231 = tpu.memref_slice %arg8[%dma_wait3A_216, %dma_wait3A_229, %dma_wait3A_230] : memref<2x200x64xf32, #tpu.memory_space<vmem>> -> memref<1x200x64xf32, #tpu.memory_space<vmem>>
      %dma_wait3A_232 = tpu.memref_squeeze %dma_wait3A_231 : memref<1x200x64xf32, #tpu.memory_space<vmem>> -> memref<200x64xf32, #tpu.memory_space<vmem>>
      tpu.wait_dma2 semaphore(%arg12 : memref<!tpu.dma_semaphore, #tpu.memory_space<semaphore_mem>>) src(%dma_wait3A_232 : memref<200x64xf32, #tpu.memory_space<vmem>>) dst(%dma_wait3A_228 : memref<200x64xf32, #tpu.memory_space<hbm>>)
      %add3A_233 = arith.constant 1 : i32
      %add3A_234 = arith.addi %add3A_215, %add3A_233 : i32
      %dma_start3A_235 = arith.constant 1 : i32
      %dma_start3A_236 = arith.constant 0 : i32
      %dma_start3A_237 = arith.constant 0 : i32
      %dma_start3A_238 = tpu.memref_slice %arg8[%dma_start3A_235, %dma_start3A_236, %dma_start3A_237] : memref<2x200x64xf32, #tpu.memory_space<vmem>> -> memref<1x200x64xf32, #tpu.memory_space<vmem>>
      %dma_start3A_239 = tpu.memref_squeeze %dma_start3A_238 : memref<1x200x64xf32, #tpu.memory_space<vmem>> -> memref<200x64xf32, #tpu.memory_space<vmem>>
      %dma_start3A_240 = arith.constant 0 : i32
      %dma_start3A_241 = tpu.memref_slice %arg7[%add3A_234, %dma_start3A_240] : memref<128x200xi32, #tpu.memory_space<vmem>> -> memref<1x200xi32, #tpu.memory_space<vmem>>
      %dma_start3A_242 = tpu.memref_squeeze %dma_start3A_241 : memref<1x200xi32, #tpu.memory_space<vmem>> -> memref<200xi32, #tpu.memory_space<vmem>>
      %dma_start3A_243 = arith.constant 0 : i32
      %dma_start3A_244 = arith.constant 0 : i32
      %dma_start3A_245 = tpu.memref_slice %arg3[%dma_start3A_243, %dma_start3A_244] : memref<1000000x64xf32, #tpu.memory_space<hbm>> -> memref<1000000x64xf32, #tpu.memory_space<hbm>>
      tpu.enqueue_indirect_dma source(%dma_start3A_245 : memref<1000000x64xf32, #tpu.memory_space<hbm>>) target(%dma_start3A_239 : memref<200x64xf32, #tpu.memory_space<vmem>>) offsets(%dma_start3A_242 : memref<200xi32, #tpu.memory_space<vmem>>) semaphore(%arg10 : memref<!tpu.dma_semaphore, #tpu.memory_space<semaphore_mem>>)
      %dma_wait3A_246 = arith.constant 0 : i32
      %dma_wait3A_247 = arith.constant 0 : i32
      %dma_wait3A_248 = arith.constant 0 : i32
      %dma_wait3A_249 = tpu.memref_slice %arg8[%dma_wait3A_246, %dma_wait3A_247, %dma_wait3A_248] : memref<2x200x64xf32, #tpu.memory_space<vmem>> -> memref<1x200x64xf32, #tpu.memory_space<vmem>>
      %dma_wait3A_250 = tpu.memref_squeeze %dma_wait3A_249 : memref<1x200x64xf32, #tpu.memory_space<vmem>> -> memref<200x64xf32, #tpu.memory_space<vmem>>
      %dma_wait3A_251 = arith.constant 0 : i32
      %dma_wait3A_252 = arith.constant 0 : i32
      %dma_wait3A_253 = tpu.memref_slice %arg3[%dma_wait3A_251, %dma_wait3A_252] : memref<1000000x64xf32, #tpu.memory_space<hbm>> -> memref<200x64xf32, #tpu.memory_space<hbm>>
      %dma_wait3A_254 = arith.constant 0 : i32
      %dma_wait3A_255 = arith.constant 0 : i32
      %dma_wait3A_256 = tpu.memref_slice %arg8[%dma_wait3A_246, %dma_wait3A_254, %dma_wait3A_255] : memref<2x200x64xf32, #tpu.memory_space<vmem>> -> memref<1x200x64xf32, #tpu.memory_space<vmem>>
      %dma_wait3A_257 = tpu.memref_squeeze %dma_wait3A_256 : memref<1x200x64xf32, #tpu.memory_space<vmem>> -> memref<200x64xf32, #tpu.memory_space<vmem>>
      %dma_wait3A_258 = arith.constant 0 : i32
      %dma_wait3A_259 = arith.constant 0 : i32
      %dma_wait3A_260 = tpu.memref_slice %arg3[%dma_wait3A_258, %dma_wait3A_259] : memref<1000000x64xf32, #tpu.memory_space<hbm>> -> memref<200x64xf32, #tpu.memory_space<hbm>>
      tpu.wait_dma2 semaphore(%arg9 : memref<!tpu.dma_semaphore, #tpu.memory_space<semaphore_mem>>) src(%dma_wait3A_260 : memref<200x64xf32, #tpu.memory_space<hbm>>) dst(%dma_wait3A_257 : memref<200x64xf32, #tpu.memory_space<vmem>>)
      %scan3A_261 = arith.constant 0 : i32
      %scan3A_262 = arith.constant 200 : i32
      %scan3A_263 = arith.addi %scan3A_261, %scan3A_262 : i32
      %scan3A_264 = arith.constant 1 : i32
      scf.for %scan3A_284 = %scan3A_261 to %scan3A_263 step %scan3A_264  : i32 {
        %mul3A_285 = arith.constant 1 : i32
        %mul3A_286 = arith.muli %scan3A_284, %mul3A_285 : i32
        %add3A_287 = arith.constant 0 : i32
        %add3A_288 = arith.addi %add3A_287, %mul3A_286 : i32
        %get3A = arith.constant 0 : i32
        %get3A_289 = arith.index_cast %get3A : i32 to index
        %get3A_290 = arith.index_cast %add3A_288 : i32 to index
        %get3A_291 = arith.constant 0 : index
        %get3A_292 = tpu.vector_load %arg8[%get3A_289, %get3A_290, %get3A_291] {strides = array<i32>} : memref<2x200x64xf32, #tpu.memory_space<vmem>>, vector<1x1x16xf32>,
        %get3A_293 = vector.shape_cast %get3A_292 : vector<1x1x16xf32> to vector<16xf32>
        %mul3A_294 = arith.constant 8.000000e+00 : f32
        %mul3A_295 = vector.broadcast %mul3A_294 : f32 to vector<16xf32>
        %mul3A_296 = arith.mulf %get3A_293, %mul3A_295 : vector<16xf32>
        %get3A_297 = arith.index_cast %add3A_288 : i32 to index
        %get3A_298 = arith.constant 0 : index
        %get3A_299 = tpu.vector_load %arg6[%get3A_297, %get3A_298] {strides = array<i32>} : memref<200x64xf32, #tpu.memory_space<vmem>>, vector<1x16xf32>,
        %get3A_300 = vector.shape_cast %get3A_299 : vector<1x16xf32> to vector<16xf32>
        %add3A_301 = arith.addf %mul3A_296, %get3A_300 : vector<16xf32>
        %swap3A = arith.constant 0 : i32
        %swap3A_302 = arith.index_cast %swap3A : i32 to index
        %swap3A_303 = arith.index_cast %add3A_288 : i32 to index
        %swap3A_304 = arith.constant 0 : index
        %swap3A_305 = tpu.vector_load %arg8[%swap3A_302, %swap3A_303, %swap3A_304] {strides = array<i32>} : memref<2x200x64xf32, #tpu.memory_space<vmem>>, vector<1x1x16xf32>,
        %swap3A_306 = vector.shape_cast %swap3A_305 : vector<1x1x16xf32> to vector<16xf32>
        %swap3A_307 = vector.shape_cast %add3A_301 : vector<16xf32> to vector<1x1x16xf32>
        tpu.vector_store %arg8[%swap3A_302, %swap3A_303, %swap3A_304], %swap3A_307 {strides = array<i32>} : memref<2x200x64xf32, #tpu.memory_space<vmem>>, vector<1x1x16xf32>,
        %get3A_308 = arith.constant 0 : i32
        %get3A_309 = arith.index_cast %get3A_308 : i32 to index
        %get3A_310 = arith.index_cast %add3A_288 : i32 to index
        %get3A_311 = arith.constant 16 : index
        %get3A_312 = tpu.vector_load %arg8[%get3A_309, %get3A_310, %get3A_311] {strides = array<i32>} : memref<2x200x64xf32, #tpu.memory_space<vmem>>, vector<1x1x16xf32>,
        %get3A_313 = vector.shape_cast %get3A_312 : vector<1x1x16xf32> to vector<16xf32>
        %mul3A_314 = arith.constant 8.000000e+00 : f32
        %mul3A_315 = vector.broadcast %mul3A_314 : f32 to vector<16xf32>
        %mul3A_316 = arith.mulf %get3A_313, %mul3A_315 : vector<16xf32>
        %get3A_317 = arith.index_cast %add3A_288 : i32 to index
        %get3A_318 = arith.constant 16 : index
        %get3A_319 = tpu.vector_load %arg6[%get3A_317, %get3A_318] {strides = array<i32>} : memref<200x64xf32, #tpu.memory_space<vmem>>, vector<1x16xf32>,
        %get3A_320 = vector.shape_cast %get3A_319 : vector<1x16xf32> to vector<16xf32>
        %add3A_321 = arith.addf %mul3A_316, %get3A_320 : vector<16xf32>
        %swap3A_322 = arith.constant 0 : i32
        %swap3A_323 = arith.index_cast %swap3A_322 : i32 to index
        %swap3A_324 = arith.index_cast %add3A_288 : i32 to index
        %swap3A_325 = arith.constant 16 : index
        %swap3A_326 = tpu.vector_load %arg8[%swap3A_323, %swap3A_324, %swap3A_325] {strides = array<i32>} : memref<2x200x64xf32, #tpu.memory_space<vmem>>, vector<1x1x16xf32>,
        %swap3A_327 = vector.shape_cast %swap3A_326 : vector<1x1x16xf32> to vector<16xf32>
        %swap3A_328 = vector.shape_cast %add3A_321 : vector<16xf32> to vector<1x1x16xf32>
        tpu.vector_store %arg8[%swap3A_323, %swap3A_324, %swap3A_325], %swap3A_328 {strides = array<i32>} : memref<2x200x64xf32, #tpu.memory_space<vmem>>, vector<1x1x16xf32>,
        %get3A_329 = arith.constant 0 : i32
        %get3A_330 = arith.index_cast %get3A_329 : i32 to index
        %get3A_331 = arith.index_cast %add3A_288 : i32 to index
        %get3A_332 = arith.constant 32 : index
        %get3A_333 = tpu.vector_load %arg8[%get3A_330, %get3A_331, %get3A_332] {strides = array<i32>} : memref<2x200x64xf32, #tpu.memory_space<vmem>>, vector<1x1x16xf32>,
        %get3A_334 = vector.shape_cast %get3A_333 : vector<1x1x16xf32> to vector<16xf32>
        %mul3A_335 = arith.constant 8.000000e+00 : f32
        %mul3A_336 = vector.broadcast %mul3A_335 : f32 to vector<16xf32>
        %mul3A_337 = arith.mulf %get3A_334, %mul3A_336 : vector<16xf32>
        %get3A_338 = arith.index_cast %add3A_288 : i32 to index
        %get3A_339 = arith.constant 32 : index
        %get3A_340 = tpu.vector_load %arg6[%get3A_338, %get3A_339] {strides = array<i32>} : memref<200x64xf32, #tpu.memory_space<vmem>>, vector<1x16xf32>,
        %get3A_341 = vector.shape_cast %get3A_340 : vector<1x16xf32> to vector<16xf32>
        %add3A_342 = arith.addf %mul3A_337, %get3A_341 : vector<16xf32>
        %swap3A_343 = arith.constant 0 : i32
        %swap3A_344 = arith.index_cast %swap3A_343 : i32 to index
        %swap3A_345 = arith.index_cast %add3A_288 : i32 to index
        %swap3A_346 = arith.constant 32 : index
        %swap3A_347 = tpu.vector_load %arg8[%swap3A_344, %swap3A_345, %swap3A_346] {strides = array<i32>} : memref<2x200x64xf32, #tpu.memory_space<vmem>>, vector<1x1x16xf32>,
        %swap3A_348 = vector.shape_cast %swap3A_347 : vector<1x1x16xf32> to vector<16xf32>
        %swap3A_349 = vector.shape_cast %add3A_342 : vector<16xf32> to vector<1x1x16xf32>
        tpu.vector_store %arg8[%swap3A_344, %swap3A_345, %swap3A_346], %swap3A_349 {strides = array<i32>} : memref<2x200x64xf32, #tpu.memory_space<vmem>>, vector<1x1x16xf32>,
        %get3A_350 = arith.constant 0 : i32
        %get3A_351 = arith.index_cast %get3A_350 : i32 to index
        %get3A_352 = arith.index_cast %add3A_288 : i32 to index
        %get3A_353 = arith.constant 48 : index
        %get3A_354 = tpu.vector_load %arg8[%get3A_351, %get3A_352, %get3A_353] {strides = array<i32>} : memref<2x200x64xf32, #tpu.memory_space<vmem>>, vector<1x1x16xf32>,
        %get3A_355 = vector.shape_cast %get3A_354 : vector<1x1x16xf32> to vector<16xf32>
        %mul3A_356 = arith.constant 8.000000e+00 : f32
        %mul3A_357 = vector.broadcast %mul3A_356 : f32 to vector<16xf32>
        %mul3A_358 = arith.mulf %get3A_355, %mul3A_357 : vector<16xf32>
        %get3A_359 = arith.index_cast %add3A_288 : i32 to index
        %get3A_360 = arith.constant 48 : index
        %get3A_361 = tpu.vector_load %arg6[%get3A_359, %get3A_360] {strides = array<i32>} : memref<200x64xf32, #tpu.memory_space<vmem>>, vector<1x16xf32>,
        %get3A_362 = vector.shape_cast %get3A_361 : vector<1x16xf32> to vector<16xf32>
        %add3A_363 = arith.addf %mul3A_358, %get3A_362 : vector<16xf32>
        %swap3A_364 = arith.constant 0 : i32
        %swap3A_365 = arith.index_cast %swap3A_364 : i32 to index
        %swap3A_366 = arith.index_cast %add3A_288 : i32 to index
        %swap3A_367 = arith.constant 48 : index
        %swap3A_368 = tpu.vector_load %arg8[%swap3A_365, %swap3A_366, %swap3A_367] {strides = array<i32>} : memref<2x200x64xf32, #tpu.memory_space<vmem>>, vector<1x1x16xf32>,
        %swap3A_369 = vector.shape_cast %swap3A_368 : vector<1x1x16xf32> to vector<16xf32>
        %swap3A_370 = vector.shape_cast %add3A_363 : vector<16xf32> to vector<1x1x16xf32>
        tpu.vector_store %arg8[%swap3A_365, %swap3A_366, %swap3A_367], %swap3A_370 {strides = array<i32>} : memref<2x200x64xf32, #tpu.memory_space<vmem>>, vector<1x1x16xf32>,
      }
      %scan3A_265 = arith.constant 200 : i32
      %add3A_266 = arith.addi %mul3A_2, %add3A_215 : i32
      %dma_start3A_267 = arith.constant 0 : i32
      %dma_start3A_268 = arith.constant 0 : i32
      %dma_start3A_269 = arith.constant 0 : i32
      %dma_start3A_270 = tpu.memref_slice %arg8[%dma_start3A_267, %dma_start3A_268, %dma_start3A_269] : memref<2x200x64xf32, #tpu.memory_space<vmem>> -> memref<1x200x64xf32, #tpu.memory_space<vmem>>
      %dma_start3A_271 = tpu.memref_squeeze %dma_start3A_270 : memref<1x200x64xf32, #tpu.memory_space<vmem>> -> memref<200x64xf32, #tpu.memory_space<vmem>>
      %dma_start3A_272 = arith.constant 0 : i32
      %dma_start3A_273 = arith.constant 0 : i32
      %dma_start3A_274 = tpu.memref_slice %arg5[%add3A_266, %dma_start3A_272, %dma_start3A_273] : memref<4096x200x64xf32, #tpu.memory_space<hbm>> -> memref<1x200x64xf32, #tpu.memory_space<hbm>>
      %dma_start3A_275 = tpu.memref_squeeze %dma_start3A_274 : memref<1x200x64xf32, #tpu.memory_space<hbm>> -> memref<200x64xf32, #tpu.memory_space<hbm>>
      %dma_start3A_276 = arith.constant 0 : i32
      %dma_start3A_277 = arith.constant 0 : i32
      %dma_start3A_278 = tpu.memref_slice %arg5[%add3A_266, %dma_start3A_276, %dma_start3A_277] : memref<4096x200x64xf32, #tpu.memory_space<hbm>> -> memref<1x200x64xf32, #tpu.memory_space<hbm>>
      %dma_start3A_279 = tpu.memref_squeeze %dma_start3A_278 : memref<1x200x64xf32, #tpu.memory_space<hbm>> -> memref<200x64xf32, #tpu.memory_space<hbm>>
      %dma_start3A_280 = arith.constant 0 : i32
      %dma_start3A_281 = arith.constant 0 : i32
      %dma_start3A_282 = tpu.memref_slice %arg8[%dma_start3A_267, %dma_start3A_280, %dma_start3A_281] : memref<2x200x64xf32, #tpu.memory_space<vmem>> -> memref<1x200x64xf32, #tpu.memory_space<vmem>>
      %dma_start3A_283 = tpu.memref_squeeze %dma_start3A_282 : memref<1x200x64xf32, #tpu.memory_space<vmem>> -> memref<200x64xf32, #tpu.memory_space<vmem>>
      tpu.enqueue_dma source(%dma_start3A_283 : memref<200x64xf32, #tpu.memory_space<vmem>>) target(%dma_start3A_279 : memref<200x64xf32, #tpu.memory_space<hbm>>) target_semaphore(%arg11 : memref<!tpu.dma_semaphore, #tpu.memory_space<semaphore_mem>>)
    }
    %scan3A_67 = arith.constant 63 : i32
    %dma_wait3A_68 = arith.constant 0 : i32
    %dma_wait3A_69 = arith.constant 0 : i32
    %dma_wait3A_70 = arith.constant 0 : i32
    %dma_wait3A_71 = tpu.memref_slice %arg8[%dma_wait3A_68, %dma_wait3A_69, %dma_wait3A_70] : memref<2x200x64xf32, #tpu.memory_space<vmem>> -> memref<1x200x64xf32, #tpu.memory_space<vmem>>
    %dma_wait3A_72 = tpu.memref_squeeze %dma_wait3A_71 : memref<1x200x64xf32, #tpu.memory_space<vmem>> -> memref<200x64xf32, #tpu.memory_space<vmem>>
    %dma_wait3A_73 = arith.constant 0 : i32
    %dma_wait3A_74 = arith.constant 0 : i32
    %dma_wait3A_75 = tpu.memref_slice %arg5[%mul3A_2, %dma_wait3A_73, %dma_wait3A_74] : memref<4096x200x64xf32, #tpu.memory_space<hbm>> -> memref<1x200x64xf32, #tpu.memory_space<hbm>>
    %dma_wait3A_76 = tpu.memref_squeeze %dma_wait3A_75 : memref<1x200x64xf32, #tpu.memory_space<hbm>> -> memref<200x64xf32, #tpu.memory_space<hbm>>
    %dma_wait3A_77 = arith.constant 0 : i32
    %dma_wait3A_78 = arith.constant 0 : i32
    %dma_wait3A_79 = tpu.memref_slice %arg5[%mul3A_2, %dma_wait3A_77, %dma_wait3A_78] : memref<4096x200x64xf32, #tpu.memory_space<hbm>> -> memref<1x200x64xf32, #tpu.memory_space<hbm>>
    %dma_wait3A_80 = tpu.memref_squeeze %dma_wait3A_79 : memref<1x200x64xf32, #tpu.memory_space<hbm>> -> memref<200x64xf32, #tpu.memory_space<hbm>>
    %dma_wait3A_81 = arith.constant 0 : i32
    %dma_wait3A_82 = arith.constant 0 : i32
    %dma_wait3A_83 = tpu.memref_slice %arg8[%dma_wait3A_68, %dma_wait3A_81, %dma_wait3A_82] : memref<2x200x64xf32, #tpu.memory_space<vmem>> -> memref<1x200x64xf32, #tpu.memory_space<vmem>>
    %dma_wait3A_84 = tpu.memref_squeeze %dma_wait3A_83 : memref<1x200x64xf32, #tpu.memory_space<vmem>> -> memref<200x64xf32, #tpu.memory_space<vmem>>
    tpu.wait_dma2 semaphore(%arg11 : memref<!tpu.dma_semaphore, #tpu.memory_space<semaphore_mem>>) src(%dma_wait3A_84 : memref<200x64xf32, #tpu.memory_space<vmem>>) dst(%dma_wait3A_80 : memref<200x64xf32, #tpu.memory_space<hbm>>)
    %dma_wait3A_85 = arith.constant 1 : i32
    %dma_wait3A_86 = arith.constant 0 : i32
    %dma_wait3A_87 = arith.constant 0 : i32
    %dma_wait3A_88 = tpu.memref_slice %arg8[%dma_wait3A_85, %dma_wait3A_86, %dma_wait3A_87] : memref<2x200x64xf32, #tpu.memory_space<vmem>> -> memref<1x200x64xf32, #tpu.memory_space<vmem>>
    %dma_wait3A_89 = tpu.memref_squeeze %dma_wait3A_88 : memref<1x200x64xf32, #tpu.memory_space<vmem>> -> memref<200x64xf32, #tpu.memory_space<vmem>>
    %dma_wait3A_90 = arith.constant 0 : i32
    %dma_wait3A_91 = arith.constant 0 : i32
    %dma_wait3A_92 = tpu.memref_slice %arg3[%dma_wait3A_90, %dma_wait3A_91] : memref<1000000x64xf32, #tpu.memory_space<hbm>> -> memref<200x64xf32, #tpu.memory_space<hbm>>
    %dma_wait3A_93 = arith.constant 0 : i32
    %dma_wait3A_94 = arith.constant 0 : i32
    %dma_wait3A_95 = tpu.memref_slice %arg8[%dma_wait3A_85, %dma_wait3A_93, %dma_wait3A_94] : memref<2x200x64xf32, #tpu.memory_space<vmem>> -> memref<1x200x64xf32, #tpu.memory_space<vmem>>
    %dma_wait3A_96 = tpu.memref_squeeze %dma_wait3A_95 : memref<1x200x64xf32, #tpu.memory_space<vmem>> -> memref<200x64xf32, #tpu.memory_space<vmem>>
    %dma_wait3A_97 = arith.constant 0 : i32
    %dma_wait3A_98 = arith.constant 0 : i32
    %dma_wait3A_99 = tpu.memref_slice %arg3[%dma_wait3A_97, %dma_wait3A_98] : memref<1000000x64xf32, #tpu.memory_space<hbm>> -> memref<200x64xf32, #tpu.memory_space<hbm>>
    tpu.wait_dma2 semaphore(%arg10 : memref<!tpu.dma_semaphore, #tpu.memory_space<semaphore_mem>>) src(%dma_wait3A_99 : memref<200x64xf32, #tpu.memory_space<hbm>>) dst(%dma_wait3A_96 : memref<200x64xf32, #tpu.memory_space<vmem>>)
    %scan3A_100 = arith.constant 0 : i32
    %scan3A_101 = arith.constant 200 : i32
    %scan3A_102 = arith.addi %scan3A_100, %scan3A_101 : i32
    %scan3A_103 = arith.constant 1 : i32
    scf.for %scan3A_141 = %scan3A_100 to %scan3A_102 step %scan3A_103  : i32 {
      %mul3A_142 = arith.constant 1 : i32
      %mul3A_143 = arith.muli %scan3A_141, %mul3A_142 : i32
      %add3A_144 = arith.constant 0 : i32
      %add3A_145 = arith.addi %add3A_144, %mul3A_143 : i32
      %get3A = arith.constant 1 : i32
      %get3A_146 = arith.index_cast %get3A : i32 to index
      %get3A_147 = arith.index_cast %add3A_145 : i32 to index
      %get3A_148 = arith.constant 0 : index
      %get3A_149 = tpu.vector_load %arg8[%get3A_146, %get3A_147, %get3A_148] {strides = array<i32>} : memref<2x200x64xf32, #tpu.memory_space<vmem>>, vector<1x1x16xf32>,
      %get3A_150 = vector.shape_cast %get3A_149 : vector<1x1x16xf32> to vector<16xf32>
      %mul3A_151 = arith.constant 8.000000e+00 : f32
      %mul3A_152 = vector.broadcast %mul3A_151 : f32 to vector<16xf32>
      %mul3A_153 = arith.mulf %get3A_150, %mul3A_152 : vector<16xf32>
      %get3A_154 = arith.index_cast %add3A_145 : i32 to index
      %get3A_155 = arith.constant 0 : index
      %get3A_156 = tpu.vector_load %arg6[%get3A_154, %get3A_155] {strides = array<i32>} : memref<200x64xf32, #tpu.memory_space<vmem>>, vector<1x16xf32>,
      %get3A_157 = vector.shape_cast %get3A_156 : vector<1x16xf32> to vector<16xf32>
      %add3A_158 = arith.addf %mul3A_153, %get3A_157 : vector<16xf32>
      %swap3A = arith.constant 1 : i32
      %swap3A_159 = arith.index_cast %swap3A : i32 to index
      %swap3A_160 = arith.index_cast %add3A_145 : i32 to index
      %swap3A_161 = arith.constant 0 : index
      %swap3A_162 = tpu.vector_load %arg8[%swap3A_159, %swap3A_160, %swap3A_161] {strides = array<i32>} : memref<2x200x64xf32, #tpu.memory_space<vmem>>, vector<1x1x16xf32>,
      %swap3A_163 = vector.shape_cast %swap3A_162 : vector<1x1x16xf32> to vector<16xf32>
      %swap3A_164 = vector.shape_cast %add3A_158 : vector<16xf32> to vector<1x1x16xf32>
      tpu.vector_store %arg8[%swap3A_159, %swap3A_160, %swap3A_161], %swap3A_164 {strides = array<i32>} : memref<2x200x64xf32, #tpu.memory_space<vmem>>, vector<1x1x16xf32>,
      %get3A_165 = arith.constant 1 : i32
      %get3A_166 = arith.index_cast %get3A_165 : i32 to index
      %get3A_167 = arith.index_cast %add3A_145 : i32 to index
      %get3A_168 = arith.constant 16 : index
      %get3A_169 = tpu.vector_load %arg8[%get3A_166, %get3A_167, %get3A_168] {strides = array<i32>} : memref<2x200x64xf32, #tpu.memory_space<vmem>>, vector<1x1x16xf32>,
      %get3A_170 = vector.shape_cast %get3A_169 : vector<1x1x16xf32> to vector<16xf32>
      %mul3A_171 = arith.constant 8.000000e+00 : f32
      %mul3A_172 = vector.broadcast %mul3A_171 : f32 to vector<16xf32>
      %mul3A_173 = arith.mulf %get3A_170, %mul3A_172 : vector<16xf32>
      %get3A_174 = arith.index_cast %add3A_145 : i32 to index
      %get3A_175 = arith.constant 16 : index
      %get3A_176 = tpu.vector_load %arg6[%get3A_174, %get3A_175] {strides = array<i32>} : memref<200x64xf32, #tpu.memory_space<vmem>>, vector<1x16xf32>,
      %get3A_177 = vector.shape_cast %get3A_176 : vector<1x16xf32> to vector<16xf32>
      %add3A_178 = arith.addf %mul3A_173, %get3A_177 : vector<16xf32>
      %swap3A_179 = arith.constant 1 : i32
      %swap3A_180 = arith.index_cast %swap3A_179 : i32 to index
      %swap3A_181 = arith.index_cast %add3A_145 : i32 to index
      %swap3A_182 = arith.constant 16 : index
      %swap3A_183 = tpu.vector_load %arg8[%swap3A_180, %swap3A_181, %swap3A_182] {strides = array<i32>} : memref<2x200x64xf32, #tpu.memory_space<vmem>>, vector<1x1x16xf32>,
      %swap3A_184 = vector.shape_cast %swap3A_183 : vector<1x1x16xf32> to vector<16xf32>
      %swap3A_185 = vector.shape_cast %add3A_178 : vector<16xf32> to vector<1x1x16xf32>
      tpu.vector_store %arg8[%swap3A_180, %swap3A_181, %swap3A_182], %swap3A_185 {strides = array<i32>} : memref<2x200x64xf32, #tpu.memory_space<vmem>>, vector<1x1x16xf32>,
      %get3A_186 = arith.constant 1 : i32
      %get3A_187 = arith.index_cast %get3A_186 : i32 to index
      %get3A_188 = arith.index_cast %add3A_145 : i32 to index
      %get3A_189 = arith.constant 32 : index
      %get3A_190 = tpu.vector_load %arg8[%get3A_187, %get3A_188, %get3A_189] {strides = array<i32>} : memref<2x200x64xf32, #tpu.memory_space<vmem>>, vector<1x1x16xf32>,
      %get3A_191 = vector.shape_cast %get3A_190 : vector<1x1x16xf32> to vector<16xf32>
      %mul3A_192 = arith.constant 8.000000e+00 : f32
      %mul3A_193 = vector.broadcast %mul3A_192 : f32 to vector<16xf32>
      %mul3A_194 = arith.mulf %get3A_191, %mul3A_193 : vector<16xf32>
      %get3A_195 = arith.index_cast %add3A_145 : i32 to index
      %get3A_196 = arith.constant 32 : index
      %get3A_197 = tpu.vector_load %arg6[%get3A_195, %get3A_196] {strides = array<i32>} : memref<200x64xf32, #tpu.memory_space<vmem>>, vector<1x16xf32>,
      %get3A_198 = vector.shape_cast %get3A_197 : vector<1x16xf32> to vector<16xf32>
      %add3A_199 = arith.addf %mul3A_194, %get3A_198 : vector<16xf32>
      %swap3A_200 = arith.constant 1 : i32
      %swap3A_201 = arith.index_cast %swap3A_200 : i32 to index
      %swap3A_202 = arith.index_cast %add3A_145 : i32 to index
      %swap3A_203 = arith.constant 32 : index
      %swap3A_204 = tpu.vector_load %arg8[%swap3A_201, %swap3A_202, %swap3A_203] {strides = array<i32>} : memref<2x200x64xf32, #tpu.memory_space<vmem>>, vector<1x1x16xf32>,
      %swap3A_205 = vector.shape_cast %swap3A_204 : vector<1x1x16xf32> to vector<16xf32>
      %swap3A_206 = vector.shape_cast %add3A_199 : vector<16xf32> to vector<1x1x16xf32>
      tpu.vector_store %arg8[%swap3A_201, %swap3A_202, %swap3A_203], %swap3A_206 {strides = array<i32>} : memref<2x200x64xf32, #tpu.memory_space<vmem>>, vector<1x1x16xf32>,
      %get3A_207 = arith.constant 1 : i32
      %get3A_208 = arith.index_cast %get3A_207 : i32 to index
      %get3A_209 = arith.index_cast %add3A_145 : i32 to index
      %get3A_210 = arith.constant 48 : index
      %get3A_211 = tpu.vector_load %arg8[%get3A_208, %get3A_209, %get3A_210] {strides = array<i32>} : memref<2x200x64xf32, #tpu.memory_space<vmem>>, vector<1x1x16xf32>,
      %get3A_212 = vector.shape_cast %get3A_211 : vector<1x1x16xf32> to vector<16xf32>
      %mul3A_213 = arith.constant 8.000000e+00 : f32
      %mul3A_214 = vector.broadcast %mul3A_213 : f32 to vector<16xf32>
      %mul3A_215 = arith.mulf %get3A_212, %mul3A_214 : vector<16xf32>
      %get3A_216 = arith.index_cast %add3A_145 : i32 to index
      %get3A_217 = arith.constant 48 : index
      %get3A_218 = tpu.vector_load %arg6[%get3A_216, %get3A_217] {strides = array<i32>} : memref<200x64xf32, #tpu.memory_space<vmem>>, vector<1x16xf32>,
      %get3A_219 = vector.shape_cast %get3A_218 : vector<1x16xf32> to vector<16xf32>
      %add3A_220 = arith.addf %mul3A_215, %get3A_219 : vector<16xf32>
      %swap3A_221 = arith.constant 1 : i32
      %swap3A_222 = arith.index_cast %swap3A_221 : i32 to index
      %swap3A_223 = arith.index_cast %add3A_145 : i32 to index
      %swap3A_224 = arith.constant 48 : index
      %swap3A_225 = tpu.vector_load %arg8[%swap3A_222, %swap3A_223, %swap3A_224] {strides = array<i32>} : memref<2x200x64xf32, #tpu.memory_space<vmem>>, vector<1x1x16xf32>,
      %swap3A_226 = vector.shape_cast %swap3A_225 : vector<1x1x16xf32> to vector<16xf32>
      %swap3A_227 = vector.shape_cast %add3A_220 : vector<16xf32> to vector<1x1x16xf32>
      tpu.vector_store %arg8[%swap3A_222, %swap3A_223, %swap3A_224], %swap3A_227 {strides = array<i32>} : memref<2x200x64xf32, #tpu.memory_space<vmem>>, vector<1x1x16xf32>,
    }
    %scan3A_104 = arith.constant 200 : i32
    %add3A_105 = arith.constant 127 : i32
    %add3A_106 = arith.addi %mul3A_2, %add3A_105 : i32
    %dma_start3A_107 = arith.constant 1 : i32
    %dma_start3A_108 = arith.constant 0 : i32
    %dma_start3A_109 = arith.constant 0 : i32
    %dma_start3A_110 = tpu.memref_slice %arg8[%dma_start3A_107, %dma_start3A_108, %dma_start3A_109] : memref<2x200x64xf32, #tpu.memory_space<vmem>> -> memref<1x200x64xf32, #tpu.memory_space<vmem>>
    %dma_start3A_111 = tpu.memref_squeeze %dma_start3A_110 : memref<1x200x64xf32, #tpu.memory_space<vmem>> -> memref<200x64xf32, #tpu.memory_space<vmem>>
    %dma_start3A_112 = arith.constant 0 : i32
    %dma_start3A_113 = arith.constant 0 : i32
    %dma_start3A_114 = tpu.memref_slice %arg5[%add3A_106, %dma_start3A_112, %dma_start3A_113] : memref<4096x200x64xf32, #tpu.memory_space<hbm>> -> memref<1x200x64xf32, #tpu.memory_space<hbm>>
    %dma_start3A_115 = tpu.memref_squeeze %dma_start3A_114 : memref<1x200x64xf32, #tpu.memory_space<hbm>> -> memref<200x64xf32, #tpu.memory_space<hbm>>
    %dma_start3A_116 = arith.constant 0 : i32
    %dma_start3A_117 = arith.constant 0 : i32
    %dma_start3A_118 = tpu.memref_slice %arg5[%add3A_106, %dma_start3A_116, %dma_start3A_117] : memref<4096x200x64xf32, #tpu.memory_space<hbm>> -> memref<1x200x64xf32, #tpu.memory_space<hbm>>
    %dma_start3A_119 = tpu.memref_squeeze %dma_start3A_118 : memref<1x200x64xf32, #tpu.memory_space<hbm>> -> memref<200x64xf32, #tpu.memory_space<hbm>>
    %dma_start3A_120 = arith.constant 0 : i32
    %dma_start3A_121 = arith.constant 0 : i32
    %dma_start3A_122 = tpu.memref_slice %arg8[%dma_start3A_107, %dma_start3A_120, %dma_start3A_121] : memref<2x200x64xf32, #tpu.memory_space<vmem>> -> memref<1x200x64xf32, #tpu.memory_space<vmem>>
    %dma_start3A_123 = tpu.memref_squeeze %dma_start3A_122 : memref<1x200x64xf32, #tpu.memory_space<vmem>> -> memref<200x64xf32, #tpu.memory_space<vmem>>
    tpu.enqueue_dma source(%dma_start3A_123 : memref<200x64xf32, #tpu.memory_space<vmem>>) target(%dma_start3A_119 : memref<200x64xf32, #tpu.memory_space<hbm>>) target_semaphore(%arg12 : memref<!tpu.dma_semaphore, #tpu.memory_space<semaphore_mem>>)
    %dma_wait3A_124 = arith.constant 1 : i32
    %dma_wait3A_125 = arith.constant 0 : i32
    %dma_wait3A_126 = arith.constant 0 : i32
    %dma_wait3A_127 = tpu.memref_slice %arg8[%dma_wait3A_124, %dma_wait3A_125, %dma_wait3A_126] : memref<2x200x64xf32, #tpu.memory_space<vmem>> -> memref<1x200x64xf32, #tpu.memory_space<vmem>>
    %dma_wait3A_128 = tpu.memref_squeeze %dma_wait3A_127 : memref<1x200x64xf32, #tpu.memory_space<vmem>> -> memref<200x64xf32, #tpu.memory_space<vmem>>
    %dma_wait3A_129 = arith.constant 0 : i32
    %dma_wait3A_130 = arith.constant 0 : i32
    %dma_wait3A_131 = tpu.memref_slice %arg5[%mul3A_2, %dma_wait3A_129, %dma_wait3A_130] : memref<4096x200x64xf32, #tpu.memory_space<hbm>> -> memref<1x200x64xf32, #tpu.memory_space<hbm>>
    %dma_wait3A_132 = tpu.memref_squeeze %dma_wait3A_131 : memref<1x200x64xf32, #tpu.memory_space<hbm>> -> memref<200x64xf32, #tpu.memory_space<hbm>>
    %dma_wait3A_133 = arith.constant 0 : i32
    %dma_wait3A_134 = arith.constant 0 : i32
    %dma_wait3A_135 = tpu.memref_slice %arg5[%mul3A_2, %dma_wait3A_133, %dma_wait3A_134] : memref<4096x200x64xf32, #tpu.memory_space<hbm>> -> memref<1x200x64xf32, #tpu.memory_space<hbm>>
    %dma_wait3A_136 = tpu.memref_squeeze %dma_wait3A_135 : memref<1x200x64xf32, #tpu.memory_space<hbm>> -> memref<200x64xf32, #tpu.memory_space<hbm>>
    %dma_wait3A_137 = arith.constant 0 : i32
    %dma_wait3A_138 = arith.constant 0 : i32
    %dma_wait3A_139 = tpu.memref_slice %arg8[%dma_wait3A_124, %dma_wait3A_137, %dma_wait3A_138] : memref<2x200x64xf32, #tpu.memory_space<vmem>> -> memref<1x200x64xf32, #tpu.memory_space<vmem>>
    %dma_wait3A_140 = tpu.memref_squeeze %dma_wait3A_139 : memref<1x200x64xf32, #tpu.memory_space<vmem>> -> memref<200x64xf32, #tpu.memory_space<vmem>>
    tpu.wait_dma2 semaphore(%arg12 : memref<!tpu.dma_semaphore, #tpu.memory_space<semaphore_mem>>) src(%dma_wait3A_140 : memref<200x64xf32, #tpu.memory_space<vmem>>) dst(%dma_wait3A_136 : memref<200x64xf32, #tpu.memory_space<hbm>>)
    return
  }
}

</mosaic_0001>

<sc_bundles>
// kernel: kernel.3.cloned.1.call-start
scs
__scs_entry_jumppad:
0x0: {  	(pc) =	sbr.rel $0x88, $3  }
0x1: {  	(tag) =	ssettag $0x0;
	lr =	simm.s32 $0x1  }
0x2: {  	[smem:$0x3F9E] =	sst lr;
	_ =	strace $0xD0000000  }
0x3: {  	_ = 	snop  }
0x4: {  	_ = 	snop  }
0x5: {  	_ = 	snop  }
0x6: {  	_ = 	snop  }
0x7: {  	_ = 	snop  }
__scs_overlays_trampoline_lowered:
0x8: {  	[smem:$0x3FAD] =	sst s0  }
0x9: {  	[smem:$0x3FAE] =	sst s1  }
0xa: {  	[smem:$0x3FAF] =	sst s2  }
0xb: {  	[smem:$0x3FB0] =	sst s3  }
0xc: {  	[smem:$0x3FB1] =	sst s4  }
0xd: {  	[smem:$0x3FB2] =	sst s5  }
0xe: {  	[smem:$0x3FB3] =	sst s6  }
0xf: {  	[smem:$0x3FB4] =	sst s7  }
0x10: {  	[smem:$0x3FB5] =	sst s8  }
0x11: {  	[smem:$0x3FB6] =	sst s9;
	s0 =	simm.s32 @!p0 $0x0  }
0x12: {  	s1 =	sld [smem:$0x3F9C];
	s0 =	simm.s32 @p0 $0x1  }
0x13: {  	[smem:$0x3FB7] =	sst s0;
	s0 =	simm.s32 @!p1 $0x0  }
0x14: {  	s2 =	sld [smem:$0x3F9B];
	s0 =	simm.s32 @p1 $0x1  }
0x15: {  	[smem:$0x3FB8] =	sst s0;
	s0 =	simm.s32 @!p2 $0x0  }
0x16: {  	s3 =	sld [smem:$0x3FDB];
	s0 =	simm.s32 @p2 $0x1  }
0x17: {  	s4 =	simm.s32 $0x1BF5;
	[smem:$0x3FBA] =	sst s0  }
0x18: {  	s0 =	sld [smem:$0x3F9D];
	_ =	swait.ge [sflag:s4], $0x0  }
0x19: {  	s7 =	sld [smem:$0x3F9E]  }
0x1a: {  	s8 =	sadd.s32 $0xFFFFE003, lr  }
0x1b: {  	s9 =	sadd.s32 $0xFFFFFEF7, lr;
	s5 =	simm.s32 $0xFFFFFFFF;
	p2 =	slt.u32 s8, $0xFFFFF086  }
0x1c: {  	p1 =	slt.u32 s9, $0xF7A;
	s5 =	simm.s32 @!p2 $0x0  }
0x1d: {  	s5 =	simm.s32 @p1 $0x1;
	p0 =	seq.s32 s7, s2  }
0x1e: {  	s7 =	smul.u32 @!p0 $0xF7A, s2;
	p2 =	seq.s32 @!p0 s5, $0x0  }
0x1f: {  	s9 =	smul.u32 $0xF7A, s1;
	s8 =	simm.s32 @!p0 $0x1BF5;
	p2 =	por !p2, p0  }
0x20: {  	[sflag:s8] =	ssyncset.s32 @!p0 $0xFFFFF086;
	s6 =	sadd.s32 @!p0 s3, s7;
	s7 =	simm.s32 @!p0 $0x108  }
0x21: {  	s3 =	sadd.s32 s3, s9;
	s6 =	sadd.s32 @!p0 $0x88, s6;
	s7 =	simm.s32 @p2 $0x1082  }
0x22: {  	[simem:s7], [sflag:s8] =	dma.local @!p0 [hbm:s6], $0xF7A  }
0x23: {  	s9 =	sor.u32 $0xD0000000, s2;
	s6 =	simm.s32 $0x108;
	_ =	swait.ge @!p0 [sflag:s8], $0x0  }
0x24: {  	s3 =	sadd.s32 $0x88, s3;
	s6 =	simm.s32 @!p1 $0x1082;
	[sflag:s4] =	ssyncset.s32 $0xFFFFF086  }
0x25: {  	[simem:s6], [sflag:s4] =	dma.local [hbm:s3], $0xF7A  }
0x26: {  	[smem:$0x3F9E] =	sst s1;
	(tag) =	ssettag s2;
	_ =	strace s9  }
0x27: {  	s1 =	sld [smem:$0x3FAE]  }
0x28: {  	s2 =	sld [smem:$0x3FAF]  }
0x29: {  	s4 =	sld [smem:$0x3FB1]  }
0x2a: {  	p0 =	seq.s32 s5, $0x0;
	s5 =	sld [smem:$0x3FB2]  }
0x2b: {  	s6 =	sld [smem:$0x3FB3]  }
0x2c: {  	s7 =	sld [smem:$0x3FB4]  }
0x2d: {  	s3 =	simm.s32 $0x108;
	s8 =	sld [smem:$0x3FB5]  }
0x2e: {  	s3 =	simm.s32 @!p0 $0x1082;
	s9 =	sld [smem:$0x3FB6]  }
0x2f: {  	lr =	sadd.s32 s0, s3;
	s0 =	sld [smem:$0x3FAD]  }
0x30: {  	s3 =	sld [smem:$0x3FB0]  }
0x31: {  	[smem:$0x3FB9] =	sst s10  }
0x32: {  	s10 =	sld [smem:$0x3FB7];
	_ =	sdelay $0x3  }
0x33: {  	p0 =	seq.s32 s10, $0x1;
	s10 =	sld [smem:$0x3FB9];
	_ =	sdelay $0x3  }
0x34: {  	[smem:$0x3FB9] =	sst s10  }
0x35: {  	s10 =	sld [smem:$0x3FB8];
	_ =	sdelay $0x3  }
0x36: {  	p1 =	seq.s32 s10, $0x1;
	s10 =	sld [smem:$0x3FB9];
	_ =	sdelay $0x3  }
0x37: {  	[smem:$0x3FB9] =	sst s10  }
0x38: {  	s10 =	sld [smem:$0x3FBA]  }
0x39: {  	_ = 	snop;
	(pc) =	sbr.ind lr, $3  }
0x3a: {  	_ = 	snop  }
0x3b: {  	_ = 	snop  }
0x3c: {  	p2 =	seq.s32 s10, $0x1;
	s10 =	sld [smem:$0x3FB9]  }
0x3d: {  	_ =	shalt  }
0x3e: {  	_ =	shalt  }
0x3f: {  	_ =	shalt  }
0x40: {  	_ =	shalt  }
0x41: {  	_ =	shalt  }
0x42: {  	_ =	shalt  }
0x43: {  	_ =	shalt  }
0x44: {  	_ =	shalt  }
0x45: {  	_ =	shalt  }
0x46: {  	_ =	shalt  }
0x47: {  	_ =	shalt  }
0x48: {  	_ =	shalt  }
0x49: {  	_ =	shalt  }
0x4a: {  	_ =	shalt  }
0x4b: {  	_ =	shalt  }
0x4c: {  	_ =	shalt  }
0x4d: {  	_ =	shalt  }
0x4e: {  	_ =	shalt  }
0x4f: {  	_ =	shalt  }
0x50: {  	_ =	shalt  }
0x51: {  	_ =	shalt  }
0x52: {  	_ =	shalt  }
0x53: {  	_ =	shalt  }
0x54: {  	_ =	shalt  }
0x55: {  	_ =	shalt  }
0x56: {  	_ =	shalt  }
0x57: {  	_ =	shalt  }
0x58: {  	_ =	shalt  }
0x59: {  	_ =	shalt  }
0x5a: {  	_ =	shalt  }
0x5b: {  	_ =	shalt  }
0x5c: {  	_ =	shalt  }
0x5d: {  	_ =	shalt  }
0x5e: {  	_ =	shalt  }
0x5f: {  	_ =	shalt  }
0x60: {  	_ =	shalt  }
0x61: {  	_ =	shalt  }
0x62: {  	_ =	shalt  }
0x63: {  	_ =	shalt  }
0x64: {  	_ =	shalt  }
0x65: {  	_ =	shalt  }
0x66: {  	_ =	shalt  }
0x67: {  	_ =	shalt  }
0x68: {  	_ =	shalt  }
0x69: {  	_ =	shalt  }
0x6a: {  	_ =	shalt  }
0x6b: {  	_ =	shalt  }
0x6c: {  	_ =	shalt  }
0x6d: {  	_ =	shalt  }
0x6e: {  	_ =	shalt  }
0x6f: {  	_ =	shalt  }
0x70: {  	_ =	shalt  }
0x71: {  	_ =	shalt  }
0x72: {  	_ =	shalt  }
0x73: {  	_ =	shalt  }
0x74: {  	_ =	shalt  }
0x75: {  	_ =	shalt  }
0x76: {  	_ =	shalt  }
0x77: {  	_ =	shalt  }
0x78: {  	_ =	shalt  }
0x79: {  	_ =	shalt  }
0x7a: {  	_ =	shalt  }
0x7b: {  	_ =	shalt  }
0x7c: {  	_ =	shalt  }
0x7d: {  	_ =	shalt  }
0x7e: {  	_ =	shalt  }
0x7f: {  	_ =	shalt  }
0x80: {  	_ =	shalt  }
0x81: {  	_ =	shalt  }
0x82: {  	_ =	shalt  }
0x83: {  	_ =	shalt  }
0x84: {  	_ =	shalt  }
0x85: {  	_ =	shalt  }
0x86: {  	_ =	shalt  }
0x87: {  	_ =	shalt  }
.Lfunc_end0:
.L_simem_size_0:
called_computation.1_lowered:
.L_overlay_start_0:
0x88: {  	s2 =	sld [smem:$0x3FD9]  }
0x89: {  	s3 =	sld [smem:$0x3FFE];
	_ =	sdelay $0x1  }
0x8a: {  	s1 =	srdreg.scid  }
0x8b: {  	s0 =	sand.u32 $0x1, s1  }
0x8c: {  	s17 =	sshll.u32 s0, $0xA;
	s2 =	sadd.s32 s3, s2  }
0x8d: {  	s2 =	sadd.s32 s2, s17  }
0x8e: {  	[smem:$0x3FC5] =	sst s2  }
0x8f: {  	_ = 	snop  }
0x90: {  	s2 =	sld [smem:$0x3FD0];
	(tm) =	ssettm $0x1  }
0x91: {  	s18 =	sld [smem:$0x3FFB];
	_ =	sdelay $0x3  }
0x92: {  	_ =	strace s18  }
0x93: {  	s3 =	sld [smem:$0x3FFC];
	_ =	sdelay $0x3  }
0x94: {  	_ =	strace s3  }
0x95: {  	s3 =	sld [smem:$0x3FFD];
	_ =	sdelay $0x3  }
0x96: {  	_ =	strace s3  }
0x97: {  	_ =	strace $0x8FFFFFFF  }
0x98: {  	s19 =	sld [smem:$0x3FDB];
	_ =	sdelay $0x1  }
0x99: {  	s4 =	simm.s32 $_scs_section_size  }
0x9a: {  	s5 =	simm.s32 $_size__tile_overlayer_lowered;
	s6 =	simm.s32 $_tile_overlayer_lowered  }
0x9b: {  	s22 =	simm.s32 $0x1BFF;
	s21 =	sshll.u32 s6, $0x1;
	s3 =	sadd.s32 s4, s19  }
0x9c: {  	s7 =	simm.s32 $0x0;
	s20 =	sshll.u32 s5, $0x1;
	s5 =	sadd.s32 s21, s3  }
0x9d: {  	[timem:s7], [sflag:s22] =	dma.local [hbm:s5], s20  }
0x9e: {  	_ =	swait.ge [sflag:s22], s20  }
0x9f: {  	s4 =	ssub.s32 $0x0, s20;
	[sflag:s22] =	ssyncset.done $0x0  }
0xa0: {  	[sflag:s22] =	ssyncadd.s32 s4;
	_ =	sdelay $0x1  }
0xa1: {  	s23 =	simm.s32 $0x1B8B  }
0xa2: {  	_ =	swait.ge [sflag:s23], $0x1  }
0xa3: {  	[sflag:s23] =	ssyncset.done $0x0  }
0xa4: {  	s25 =	simm.s32 $0x1B8E;
	s24 =	sld [smem:$0x3FFE];
	[sflag:s23] =	ssyncadd.s32 $0xFFFFFFFF  }
0xa5: {  	s26 =	simm.s32 $execute0_lowered;
	[smem:$0x3FD2] =	sst s25  }
0xa6: {  	s5 =	sshll.u32 s26, $0x1;
	_ =	strace $0x80000046;
	[dreg:$0x1] =	wrdreg $0xFFFFFFFF  }
0xa7: {  	s28 =	simm.s32 $_size_execute0_lowered;
	s3 =	sadd.s32 s3, s5;
	[dreg:$0x0] =	wrdreg $0x0  }
0xa8: {  	s5 =	sshll.u32 s28, $0x1;
	[dreg:$0x2] =	wrdreg s3  }
0xa9: {  	[dreg:$0x3] =	wrdreg s5  }
0xaa: {  	[dreg:$0x4] =	wrdreg $0xC0  }
0xab: {  	_ =	task [dreg:s7], $0x5FFFF  }
0xac: {  	[dreg:$0x1] =	wrdreg $0xFFFFFFFF  }
0xad: {  	[dreg:$0x0] =	wrdreg $0x60  }
0xae: {  	[dreg:$0x2] =	wrdreg s24  }
0xaf: {  	[dreg:$0x3] =	wrdreg s2  }
0xb0: {  	[dreg:$0x4] =	wrdreg $0x9  }
0xb1: {  	_ =	task.clear_ibuf [dreg:s7], $0x5FFFF;
	_ =	strace $0x90000046  }
0xb2: {  	s29 =	simm.s32 $0x9;
	_ =	strace $0x80000048  }
0xb3: {  	_ =	swait.ge [sflag:s29], $0x1  }
0xb4: {  	[sflag:s29] =	ssyncadd.s32 $0xFFFFFFFF  }
0xb5: {  	_ =	strace $0x90000048  }
0xb6: {  	_ =	sfence  }
0xb7: {  	s30 =	sld [smem:$0x0];
	_ =	sdelay $0x2  }
0xb8: {  	s31 =	sshll.u32 s1, $0xD;
	s1 =	sshrl.u32 s1, $0x2  }
0xb9: {  	s3 =	sand.u32 $0x4000, s31;
	s1 =	sadd.s32 s1, s30  }
0xba: {  	s0 =	sor.u32 s3, s0;
	s1 =	sshll.u32 s1, $0x11  }
0xbb: {  	s0 =	sor.u32 s1, s0  }
0xbc: {  	s0 =	sadd.s32 $0x8F2B, s0  }
0xbd: {  	[sflag:s0] =	ssyncadd.remote.s32 $0x1  }
0xbe: {  	_ =	sfence.sel $0xFFFF  }
0xbf: {  	[dreg:$0x0] =	wrdreg $0xFFFFFFFF;
	(pc) =	sbr.abs _section_cstart, $3  }
0xc0: {  	[dreg:$0x1] =	wrdreg $0xFFFFFFFF  }
0xc1: {  	_ =	task.clear_ibuf [dreg:s7], $0x2FFFF;
	_ =	strace $0x9FFFFFFF  }
0xc2: {  	(tm) =	ssettm $0x7FFFFFFF  }
0xc3: {  	_ =	shalt  }
tec
execute0_lowered:
.L_overlay_start_1:
0x0: {  	(tag) =	ssettag $0x1  }
0x1: {  	s1 =	srdreg.scid;
	s6 =	rddreg [dreg:$0x0]  }
0x2: {  	s0 =	stileid.u32;
	s2 =	rddreg [dreg:$0x1];
	s3 =	simm.s32 $0x0  }
0x3: {  	s13 =	simm.s32 $0xC8;
	s14 =	simm.s32 $0x9600;
	s15 =	simm.s32 $0x32C8  }
0x4: {  	s16 =	simm.s32 $0xC800;
	s17 =	simm.s32 $0x1;
	s18 =	simm.s32 $0x3  }
0x5: {  	s19 =	simm.s32 $0x2;
	s20 =	simm.s32 $0x4;
	s7 =	sand.u32 $0x1, s1  }
0x6: {  	s21 =	simm.s32 $0x0;
	s4 =	sshll.u32 s0, $0x8;
	s5 =	sshll.u32 s7, $0x7  }
0x7: {  	s1 =	rddreg [dreg:$0x2];
	s7 =	ssub.s32 $0x2, s7;
	s4 =	sor.u32 s5, s4  }
0x8: {  	[smem:$0x7FF] =	sst s3;
	s10 =	sshrl.u32 s7, $0x1;
	s5 =	smul.u32 $0x19, s4  }
0x9: {  	_ =	strace $0x80000047;
	s8 =	smul.u32 $0x3200, s4;
	s10 =	ssub.s32 s7, s10  }
0xa: {  	s11 =	smul.u32 $0x640, s4;
	s10 =	smax.u32 s10, $0x1;
	s9 =	sadd.s32 s5, s6  }
0xb: {  	s5 =	sadd.s32 $0xF43000, s6;
	s8 =	sshrl.u32 s8, $0x3;
	s6 =	sadd.s32 $0x19C00, s6  }
0xc: {  	s12 =	sadd.s32 s2, s8;
	s7 =	sadd.s32 $0xC00, s9;
	s8 =	sadd.s32 s2, s11  }
0xd: {  	s11 =	simm.s32 $0x5;
	s9 =	sadd.s32 $0x319C0, s12;
	s12 =	simm.s32 $0x3200  }
.LBB2_1:
0xe: {  	[tilespmem:s3], [sflag:$0x5] =	stream.linear.gather [hbm4b:s6+s3], $0x3200, $0x38;
	[tilespmem:$0xFA00] =	vst v63  }
0xf: {  	_ =	swait.ge [sflag:s11], $0x3200  }
0x10: {  	[sflag:s11] =	ssyncset.done $0x0  }
0x11: {  	[sflag:s11] =	ssyncadd.s32 $0xFFFFCE00  }
0x12: {  	[tilespmem:s12], [sflag:$0x5] =	stream.linear.gather [hbm4b:s7+s3], $0x6400, $0x38;
	[tilespmem:$0xFA00] =	vst v63  }
0x13: {  	_ =	swait.ge [sflag:s11], $0x6400  }
0x14: {  	[sflag:s11] =	ssyncset.done $0x0  }
0x15: {  	[sflag:s11] =	ssyncadd.s32 $0xFFFF9C00  }
0x16: {  	[tilespmem:s14], [sflag:$0x1] =	stream.indirect.gather [hbm4b:s5+s13], $0x40, s12, s13, $0xb8;
	[tilespmem:$0xFA00] =	vst v63  }
0x17: {  	_ = 	snop  }
0x18: {  	[tilespmem:s16], [sflag:$0x2] =	stream.indirect.gather [hbm4b:s5+s13], $0x40, s15, s13, $0xb8;
	[tilespmem:$0xFA00] =	vst v63  }
0x19: {  	_ =	swait.ge [sflag:s17], $0x3200  }
0x1a: {  	[sflag:s17] =	ssyncset.done $0x0  }
0x1b: {  	s22 =	simm.s32 $0x0;
	[sflag:s17] =	ssyncadd.s32 $0xFFFFCE00  }
0x1c: {  	v1 =	vld [tilespmem:s22+$0x0]  }
0x1d: {  	v0 =	vld [tilespmem:s22+$0x10]  }
0x1e: {  	v3 =	vld [tilespmem:s22+$0x9600]  }
0x1f: {  	v4 =	vld [tilespmem:s22+$0x9610]  }
0x20: {  	s23 =	simm.s32 $0x100;
	v2 =	vld [tilespmem:s22+$0x9620]  }
.LBB2_2:
0x21: {  	p0 =	sne.s32 s23, $0xC700;
	v5 =	vld [tilespmem:s22+$0x9630]  }
0x22: {  	v6 =	vld [tilespmem:s22+$0x20]  }
0x23: {  	v3 =	vmul.f32 $8.000000000e+00, v3;
	v7 =	vld [tilespmem:s22+$0x30]  }
0x24: {  	v4 =	vmul.f32 $8.000000000e+00, v4  }
0x25: {  	s24 =	sshra.s32 s23, $0x2;
	v3 =	vadd.f32 v1, v3;
	v2 =	vmul.f32 $8.000000000e+00, v2  }
.Ltmp0:
0x26: {  	v1 =	vld [tilespmem:s24+$0x0];
	v4 =	vadd.f32 v0, v4;
	v5 =	vmul.f32 $8.000000000e+00, v5;
	(pc) =	sbr.rel @p0 .LBB2_2-.Ltmp0, $4  }
0x27: {  	v0 =	vld [tilespmem:s24+$0x10];
	[tilespmem:s22+$0x9600] =	vst v3;
	v2 =	vadd.f32 v6, v2  }
0x28: {  	v3 =	vld [tilespmem:s24+$0x9600];
	[tilespmem:s22+$0x9610] =	vst v4;
	v5 =	vadd.f32 v7, v5  }
0x29: {  	v4 =	vld [tilespmem:s24+$0x9610];
	[tilespmem:s22+$0x9620] =	vst v2  }
0x2a: {  	s23 =	sadd.s32 $0x100, s23;
	v2 =	vld [tilespmem:s24+$0x9620];
	[tilespmem:s22+$0x9630] =	vst v5;
	s22 =	smov.u32 s24  }
0x2b: {  	v5 =	vld [tilespmem:s22+$0x9630]  }
0x2c: {  	v6 =	vld [tilespmem:s22+$0x20]  }
0x2d: {  	v7 =	vld [tilespmem:s22+$0x30];
	v3 =	vmul.f32 $8.000000000e+00, v3  }
0x2e: {  	v4 =	vmul.f32 $8.000000000e+00, v4  }
0x2f: {  	v1 =	vadd.f32 v1, v3;
	v2 =	vmul.f32 $8.000000000e+00, v2  }
0x30: {  	v0 =	vadd.f32 v0, v4;
	v61 =	vmul.f32 $8.000000000e+00, v5  }
0x31: {  	[tilespmem:s22+$0x9600] =	vst v1;
	v62 =	vadd.f32 v6, v2  }
0x32: {  	[tilespmem:s22+$0x9610] =	vst v0;
	v63 =	vadd.f32 v7, v61  }
0x33: {  	[tilespmem:s22+$0x9620] =	vst v62  }
0x34: {  	[tilespmem:s22+$0x9630] =	vst v63;
	s22 =	simm.s32 $0x0  }
0x35: {  	[hbm4b:s8+s22] =	stream.linear.scatter [tilespmem:s14], [sflag:$0x3], $0x3200, $0x38;
	[tilespmem:$0xFA00] =	vst v63  }
.LBB2_4:
0x36: {  	s24 =	sshll.u32 s22, $0x1  }
0x37: {  	s23 =	sadd.s32 $0x2, s24  }
0x38: {  	s25 =	smul.u32 $0x320, s23  }
0x39: {  	_ =	swait.ge [sflag:s18], $0x3200  }
0x3a: {  	[sflag:s18] =	ssyncset.done $0x0;
	s25 =	sshra.s32 s25, $0x2  }
0x3b: {  	[sflag:s18] =	ssyncadd.s32 $0xFFFFCE00;
	s25 =	sadd.s32 $0x3200, s25  }
0x3c: {  	[tilespmem:s14], [sflag:$0x1] =	stream.indirect.gather [hbm4b:s5+s13], $0x40, s25, s13, $0xb8;
	[tilespmem:$0xFA00] =	vst v63  }
0x3d: {  	_ =	swait.ge [sflag:s19], $0x3200  }
0x3e: {  	[sflag:s19] =	ssyncset.done $0x0  }
0x3f: {  	s25 =	simm.s32 $0x0;
	[sflag:s19] =	ssyncadd.s32 $0xFFFFCE00  }
0x40: {  	v1 =	vld [tilespmem:s25+$0x0]  }
0x41: {  	v0 =	vld [tilespmem:s25+$0x10]  }
0x42: {  	v3 =	vld [tilespmem:s25+$0xC800]  }
0x43: {  	v4 =	vld [tilespmem:s25+$0xC810]  }
0x44: {  	s26 =	simm.s32 $0x100;
	v2 =	vld [tilespmem:s25+$0xC820]  }
.LBB2_5:
0x45: {  	p0 =	sne.s32 s26, $0xC700;
	v5 =	vld [tilespmem:s25+$0xC830]  }
0x46: {  	v6 =	vld [tilespmem:s25+$0x20]  }
0x47: {  	v3 =	vmul.f32 $8.000000000e+00, v3;
	v7 =	vld [tilespmem:s25+$0x30]  }
0x48: {  	v4 =	vmul.f32 $8.000000000e+00, v4  }
0x49: {  	s28 =	sshra.s32 s26, $0x2;
	v3 =	vadd.f32 v1, v3;
	v2 =	vmul.f32 $8.000000000e+00, v2  }
.Ltmp1:
0x4a: {  	v1 =	vld [tilespmem:s28+$0x0];
	v4 =	vadd.f32 v0, v4;
	v5 =	vmul.f32 $8.000000000e+00, v5;
	(pc) =	sbr.rel @p0 .LBB2_5-.Ltmp1, $4  }
0x4b: {  	v0 =	vld [tilespmem:s28+$0x10];
	[tilespmem:s25+$0xC800] =	vst v3;
	v2 =	vadd.f32 v6, v2  }
0x4c: {  	v3 =	vld [tilespmem:s28+$0xC800];
	[tilespmem:s25+$0xC810] =	vst v4;
	v5 =	vadd.f32 v7, v5  }
0x4d: {  	v4 =	vld [tilespmem:s28+$0xC810];
	[tilespmem:s25+$0xC820] =	vst v2  }
0x4e: {  	s26 =	sadd.s32 $0x100, s26;
	v2 =	vld [tilespmem:s28+$0xC820];
	[tilespmem:s25+$0xC830] =	vst v5;
	s25 =	smov.u32 s28  }
0x4f: {  	v5 =	vld [tilespmem:s25+$0xC830]  }
0x50: {  	v6 =	vld [tilespmem:s25+$0x20]  }
0x51: {  	v7 =	vld [tilespmem:s25+$0x30];
	v3 =	vmul.f32 $8.000000000e+00, v3  }
0x52: {  	v4 =	vmul.f32 $8.000000000e+00, v4  }
0x53: {  	v1 =	vadd.f32 v1, v3;
	v2 =	vmul.f32 $8.000000000e+00, v2  }
0x54: {  	s24 =	sadd.s32 s24, s4;
	v0 =	vadd.f32 v0, v4;
	v3 =	vmul.f32 $8.000000000e+00, v5  }
0x55: {  	s24 =	smul.u32 $0x640, s24;
	[tilespmem:s25+$0xC800] =	vst v1;
	v1 =	vadd.f32 v6, v2  }
0x56: {  	[tilespmem:s25+$0xC810] =	vst v0;
	v0 =	vadd.f32 v7, v3  }
0x57: {  	s24 =	sadd.s32 s2, s24;
	[tilespmem:s25+$0xC820] =	vst v1  }
0x58: {  	s30 =	simm.s32 $0x0;
	s31 =	smul.u32 $0x640, s22;
	s24 =	sadd.s32 $0x640, s24;
	[tilespmem:s25+$0xC830] =	vst v0  }
0x59: {  	[hbm4b:s24+s30] =	stream.linear.scatter [tilespmem:s16], [sflag:$0x4], $0x3200, $0x38;
	[tilespmem:$0xFA00] =	vst v63  }
0x5a: {  	_ =	swait.ge [sflag:s20], $0x3200  }
0x5b: {  	s24 =	sshra.s32 s31, $0x2;
	[sflag:s20] =	ssyncset.done $0x0  }
0x5c: {  	s24 =	sadd.s32 $0x3458, s24;
	[sflag:s20] =	ssyncadd.s32 $0xFFFFCE00  }
0x5d: {  	[tilespmem:s16], [sflag:$0x2] =	stream.indirect.gather [hbm4b:s5+s13], $0x40, s24, s13, $0xb8;
	[tilespmem:$0xFA00] =	vst v63  }
0x5e: {  	_ =	swait.ge [sflag:s17], $0x3200  }
0x5f: {  	[sflag:s17] =	ssyncset.done $0x0  }
0x60: {  	s24 =	simm.s32 $0x0;
	[sflag:s17] =	ssyncadd.s32 $0xFFFFCE00  }
0x61: {  	v1 =	vld [tilespmem:s24+$0x0]  }
0x62: {  	v0 =	vld [tilespmem:s24+$0x10]  }
0x63: {  	v3 =	vld [tilespmem:s24+$0x9600]  }
0x64: {  	v4 =	vld [tilespmem:s24+$0x9610]  }
0x65: {  	s25 =	simm.s32 $0x100;
	v2 =	vld [tilespmem:s24+$0x9620]  }
.LBB2_7:
0x66: {  	p0 =	sne.s32 s25, $0xC700;
	v5 =	vld [tilespmem:s24+$0x9630]  }
0x67: {  	v6 =	vld [tilespmem:s24+$0x20]  }
0x68: {  	v3 =	vmul.f32 $8.000000000e+00, v3;
	v7 =	vld [tilespmem:s24+$0x30]  }
0x69: {  	v4 =	vmul.f32 $8.000000000e+00, v4  }
0x6a: {  	s26 =	sshra.s32 s25, $0x2;
	v3 =	vadd.f32 v1, v3;
	v2 =	vmul.f32 $8.000000000e+00, v2  }
.Ltmp2:
0x6b: {  	v1 =	vld [tilespmem:s26+$0x0];
	v4 =	vadd.f32 v0, v4;
	v5 =	vmul.f32 $8.000000000e+00, v5;
	(pc) =	sbr.rel @p0 .LBB2_7-.Ltmp2, $4  }
0x6c: {  	v0 =	vld [tilespmem:s26+$0x10];
	[tilespmem:s24+$0x9600] =	vst v3;
	v2 =	vadd.f32 v6, v2  }
0x6d: {  	v3 =	vld [tilespmem:s26+$0x9600];
	[tilespmem:s24+$0x9610] =	vst v4;
	v5 =	vadd.f32 v7, v5  }
0x6e: {  	v4 =	vld [tilespmem:s26+$0x9610];
	[tilespmem:s24+$0x9620] =	vst v2  }
0x6f: {  	s25 =	sadd.s32 $0x100, s25;
	v2 =	vld [tilespmem:s26+$0x9620];
	[tilespmem:s24+$0x9630] =	vst v5;
	s24 =	smov.u32 s26  }
0x70: {  	v5 =	vld [tilespmem:s24+$0x9630]  }
0x71: {  	v6 =	vld [tilespmem:s24+$0x20]  }
0x72: {  	v7 =	vld [tilespmem:s24+$0x30];
	v3 =	vmul.f32 $8.000000000e+00, v3  }
0x73: {  	v4 =	vmul.f32 $8.000000000e+00, v4  }
0x74: {  	s22 =	sadd.s32 $0x1, s22;
	v1 =	vadd.f32 v1, v3;
	v2 =	vmul.f32 $8.000000000e+00, v2  }
0x75: {  	p0 =	sne.s32 s22, $0x3F;
	v0 =	vadd.f32 v0, v4;
	v61 =	vmul.f32 $8.000000000e+00, v5  }
.Ltmp3:
0x76: {  	s23 =	sadd.s32 s4, s23;
	[tilespmem:s24+$0x9600] =	vst v1;
	v62 =	vadd.f32 v6, v2;
	(pc) =	sbr.rel @p0 .LBB2_4-.Ltmp3, $4  }
0x77: {  	s23 =	smul.u32 $0x640, s23;
	[tilespmem:s24+$0x9610] =	vst v0;
	v63 =	vadd.f32 v7, v61  }
0x78: {  	[tilespmem:s24+$0x9620] =	vst v62  }
0x79: {  	s23 =	sadd.s32 s2, s23;
	[tilespmem:s24+$0x9630] =	vst v63  }
0x7a: {  	[hbm4b:s23+s3] =	stream.linear.scatter [tilespmem:s14], [sflag:$0x3], $0x3200, $0x38;
	[tilespmem:$0xFA00] =	vst v63  }
0x7b: {  	_ =	swait.ge [sflag:s18], $0x3200  }
0x7c: {  	[sflag:s18] =	ssyncset.done $0x0  }
0x7d: {  	[sflag:s18] =	ssyncadd.s32 $0xFFFFCE00  }
0x7e: {  	_ =	swait.ge [sflag:s19], $0x3200  }
0x7f: {  	[sflag:s19] =	ssyncset.done $0x0  }
0x80: {  	s22 =	simm.s32 $0x0;
	[sflag:s19] =	ssyncadd.s32 $0xFFFFCE00  }
0x81: {  	v1 =	vld [tilespmem:s22+$0x0]  }
0x82: {  	v0 =	vld [tilespmem:s22+$0x10]  }
0x83: {  	v3 =	vld [tilespmem:s22+$0xC800]  }
0x84: {  	v4 =	vld [tilespmem:s22+$0xC810]  }
0x85: {  	s23 =	simm.s32 $0x100;
	v2 =	vld [tilespmem:s22+$0xC820]  }
.LBB2_10:
0x86: {  	p0 =	sne.s32 s23, $0xC700;
	v5 =	vld [tilespmem:s22+$0xC830]  }
0x87: {  	v6 =	vld [tilespmem:s22+$0x20]  }
0x88: {  	v3 =	vmul.f32 $8.000000000e+00, v3;
	v7 =	vld [tilespmem:s22+$0x30]  }
0x89: {  	v4 =	vmul.f32 $8.000000000e+00, v4  }
0x8a: {  	s24 =	sshra.s32 s23, $0x2;
	v3 =	vadd.f32 v1, v3;
	v2 =	vmul.f32 $8.000000000e+00, v2  }
.Ltmp4:
0x8b: {  	v1 =	vld [tilespmem:s24+$0x0];
	v4 =	vadd.f32 v0, v4;
	v5 =	vmul.f32 $8.000000000e+00, v5;
	(pc) =	sbr.rel @p0 .LBB2_10-.Ltmp4, $4  }
0x8c: {  	v0 =	vld [tilespmem:s24+$0x10];
	[tilespmem:s22+$0xC800] =	vst v3;
	v2 =	vadd.f32 v6, v2  }
0x8d: {  	v3 =	vld [tilespmem:s24+$0xC800];
	[tilespmem:s22+$0xC810] =	vst v4;
	v5 =	vadd.f32 v7, v5  }
0x8e: {  	v4 =	vld [tilespmem:s24+$0xC810];
	[tilespmem:s22+$0xC820] =	vst v2  }
0x8f: {  	s23 =	sadd.s32 $0x100, s23;
	v2 =	vld [tilespmem:s24+$0xC820];
	[tilespmem:s22+$0xC830] =	vst v5;
	s22 =	smov.u32 s24  }
0x90: {  	v5 =	vld [tilespmem:s22+$0xC830]  }
0x91: {  	v6 =	vld [tilespmem:s22+$0x20]  }
0x92: {  	v7 =	vld [tilespmem:s22+$0x30];
	v3 =	vmul.f32 $8.000000000e+00, v3  }
0x93: {  	v4 =	vmul.f32 $8.000000000e+00, v4  }
0x94: {  	v1 =	vadd.f32 v1, v3;
	v2 =	vmul.f32 $8.000000000e+00, v2  }
0x95: {  	v0 =	vadd.f32 v0, v4;
	v61 =	vmul.f32 $8.000000000e+00, v5  }
0x96: {  	[tilespmem:s22+$0xC800] =	vst v1;
	v62 =	vadd.f32 v6, v2  }
0x97: {  	s21 =	sadd.s32 $0x1, s21;
	[tilespmem:s22+$0xC810] =	vst v0;
	v63 =	vadd.f32 v7, v61  }
0x98: {  	p0 =	sne.s32 s21, s10;
	[tilespmem:s22+$0xC820] =	vst v62  }
.Ltmp5:
0x99: {  	[tilespmem:s22+$0xC830] =	vst v63;
	(pc) =	sbr.rel @p0 .LBB2_1-.Ltmp5, $4  }
0x9a: {  	[hbm4b:s9+s3] =	stream.linear.scatter [tilespmem:s16], [sflag:$0x4], $0x3200, $0x38;
	[tilespmem:$0xFA00] =	vst v63  }
0x9b: {  	_ =	swait.ge [sflag:s20], $0x3200  }
0x9c: {  	[sflag:s20] =	ssyncset.done $0x0  }
0x9d: {  	[sflag:s20] =	ssyncadd.s32 $0xFFFFCE00  }
0x9e: {  	_ =	sfence.sel $0x180000  }
0x9f: {  	[bflag:$0x0] =	sbarrier.arrive $0xFFFF  }
0xa0: {  	p0 =	sne.s32 s0, $0x0;
	_ =	strace $0x90000047  }
0xa1: {  	s0 =	sadd.s32 @!p0 $0x100000, s1;
	[bflag:$0x2] =	sbarrier.arrive $0xFFFF  }
0xa2: {  	[sflag:s0] =	ssyncadd.tile.s32 @!p0 $0x1;
	_ =	shalt  }
.Lfunc_end2:
_tile_overlayer_lowered:
.L_overlay_start_2:
0xa3: {  	(tag) =	ssettag $0x2  }
0xa4: {  	s0 =	rddreg [dreg:$0x0];
	s2 =	stileid.u32  }
0xa5: {  	s1 =	rddreg [dreg:$0x1];
	p0 =	sne.s32 s2, $0x0  }
0xa6: {  	s3 =	rddreg [dreg:$0x2];
	[bflag:$0x3] =	sbarrier.arrive $0xFFFF;
	s2 =	simm.s32 @!p0 $0x1C05  }
0xa7: {  	[timem:s3], [sflag:s2] =	dma.local @!p0 [hbm:s0], s1  }
0xa8: {  	s0 =	simm.s32 @!p0 $0x5  }
0xa9: {  	_ =	swait.ge @!p0 [sflag:s0], s1  }
0xaa: {  	s1 =	ssub.s32 @!p0 $0x0, s1;
	[sflag:s0] =	ssyncset.done @!p0 $0x0  }
0xab: {  	[sflag:s0] =	ssyncadd.s32 @!p0 s1  }
0xac: {  	[bflag:$0x3] =	sbarrier.arrive $0xFFFF  }
0xad: {  	_ =	shalt  }

// kernel: sparse-core-data-format-call.cloned.1.call-start
scs
called_computation_lowered:
.L_overlay_start_0:
0x0: {  	s2 =	sld [smem:$0x3FD9]  }
0x1: {  	s3 =	sld [smem:$0x3FFE];
	_ =	sdelay $0x1  }
0x2: {  	s1 =	srdreg.scid  }
0x3: {  	s0 =	sand.u32 $0x1, s1  }
0x4: {  	s18 =	sshll.u32 s0, $0xA;
	s2 =	sadd.s32 s3, s2  }
0x5: {  	s2 =	sadd.s32 s2, s18  }
0x6: {  	[smem:$0x3FC5] =	sst s2  }
0x7: {  	_ = 	snop  }
0x8: {  	s2 =	sld [smem:$0x3FD0];
	(tm) =	ssettm $0x1  }
0x9: {  	s19 =	sld [smem:$0x3FFB];
	_ =	sdelay $0x3  }
0xa: {  	_ =	strace s19  }
0xb: {  	s3 =	sld [smem:$0x3FFC];
	_ =	sdelay $0x3  }
0xc: {  	_ =	strace s3  }
0xd: {  	s3 =	sld [smem:$0x3FFD];
	_ =	sdelay $0x3  }
0xe: {  	_ =	strace s3  }
0xf: {  	_ =	strace $0x8FFFFFFF  }
0x10: {  	s20 =	sld [smem:$0x3FDB];
	_ =	sdelay $0x1  }
0x11: {  	s4 =	simm.s32 $_scs_section_size  }
0x12: {  	s5 =	simm.s32 $_size__tile_overlayer_lowered;
	s6 =	simm.s32 $_tile_overlayer_lowered  }
0x13: {  	s23 =	simm.s32 $0x1BFF;
	s22 =	sshll.u32 s6, $0x1;
	s3 =	sadd.s32 s4, s20  }
0x14: {  	s7 =	simm.s32 $0x0;
	s21 =	sshll.u32 s5, $0x1;
	s5 =	sadd.s32 s22, s3  }
0x15: {  	[timem:s7], [sflag:s23] =	dma.local [hbm:s5], s21  }
0x16: {  	_ =	swait.ge [sflag:s23], s21  }
0x17: {  	s4 =	ssub.s32 $0x0, s21;
	[sflag:s23] =	ssyncset.done $0x0  }
0x18: {  	[sflag:s23] =	ssyncadd.s32 s4;
	_ =	sdelay $0x1  }
0x19: {  	s24 =	simm.s32 $0x1B8B  }
0x1a: {  	_ =	swait.ge [sflag:s24], $0x1  }
0x1b: {  	[sflag:s24] =	ssyncset.done $0x0  }
0x1c: {  	s26 =	simm.s32 $0x1B8E;
	s25 =	sld [smem:$0x3FFE];
	[sflag:s24] =	ssyncadd.s32 $0xFFFFFFFF  }
0x1d: {  	s27 =	simm.s32 $execute0_lowered;
	[smem:$0x3FD2] =	sst s26  }
0x1e: {  	s5 =	sshll.u32 s27, $0x1;
	_ =	strace $0x80000049;
	[dreg:$0x1] =	wrdreg $0xFFFFFFFF  }
0x1f: {  	s28 =	simm.s32 $_size_execute0_lowered;
	s3 =	sadd.s32 s3, s5;
	[dreg:$0x0] =	wrdreg $0x0  }
0x20: {  	s5 =	sshll.u32 s28, $0x1;
	[dreg:$0x2] =	wrdreg s3  }
0x21: {  	[dreg:$0x3] =	wrdreg s5  }
0x22: {  	[dreg:$0x4] =	wrdreg $0xC0  }
0x23: {  	_ =	task [dreg:s7], $0x5FFFF  }
0x24: {  	[dreg:$0x1] =	wrdreg $0xFFFFFFFF  }
0x25: {  	[dreg:$0x0] =	wrdreg $0x60  }
0x26: {  	[dreg:$0x2] =	wrdreg s25  }
0x27: {  	[dreg:$0x3] =	wrdreg s2  }
0x28: {  	[dreg:$0x4] =	wrdreg $0x9  }
0x29: {  	_ =	task.clear_ibuf [dreg:s7], $0x5FFFF;
	_ =	strace $0x90000049  }
0x2a: {  	s29 =	simm.s32 $0x9;
	_ =	strace $0x8000004B  }
0x2b: {  	_ =	swait.ge [sflag:s29], $0x1  }
0x2c: {  	[sflag:s29] =	ssyncadd.s32 $0xFFFFFFFF  }
0x2d: {  	_ =	strace $0x9000004B  }
0x2e: {  	_ =	sfence  }
0x2f: {  	s30 =	sld [smem:$0x0];
	_ =	sdelay $0x2  }
0x30: {  	s31 =	sshll.u32 s1, $0xD;
	s1 =	sshrl.u32 s1, $0x2  }
0x31: {  	s3 =	sand.u32 $0x4000, s31;
	s1 =	sadd.s32 s1, s30  }
0x32: {  	s0 =	sor.u32 s3, s0;
	s1 =	sshll.u32 s1, $0x11  }
0x33: {  	s0 =	sor.u32 s1, s0  }
0x34: {  	s0 =	sadd.s32 $0x8F2B, s0  }
0x35: {  	[sflag:s0] =	ssyncadd.remote.s32 $0x1  }
0x36: {  	_ =	sfence.sel $0xFFFF  }
0x37: {  	[dreg:$0x0] =	wrdreg $0xFFFFFFFF;
	(pc) =	sbr.abs _section_cstart, $3  }
0x38: {  	[dreg:$0x1] =	wrdreg $0xFFFFFFFF  }
0x39: {  	_ =	task.clear_ibuf [dreg:s7], $0x2FFFF;
	_ =	strace $0x9FFFFFFF  }
0x3a: {  	(tm) =	ssettm $0x7FFFFFFF  }
0x3b: {  	_ =	shalt  }
tec
execute0_lowered:
.L_overlay_start_1:
0x0: {  	(tag) =	ssettag $0x1  }
0x1: {  	s0 =	srdreg.scid  }
0x2: {  	s1 =	sshll.u32 s0, $0x4  }
0x3: {  	s0 =	stileid.u32;
	s1 =	sand.u32 $0x10, s1  }
0x4: {  	s1 =	sor.u32 s0, s1  }
0x5: {  	s6 =	rddreg [dreg:$0x0];
	s4 =	simm.s32 $0x1;
	s2 =	sshll.u32 s1, $0x7  }
0x6: {  	s7 =	simm.s32 $0x2;
	s12 =	simm.s32 $0x0;
	s1 =	ssub.s32 $0x1000, s2  }
0x7: {  	s8 =	simm.s32 $0x8000;
	s13 =	simm.s32 $0x0;
	s3 =	sand.u32 $0xF80, s1  }
0x8: {  	s9 =	simm.s32 $0x0;
	s5 =	sshrl.u32 s1, $0xC;
	p0 =	sne.s32 s3, $0x0  }
.Ltmp0:
0x9: {  	s1 =	rddreg [dreg:$0x2];
	s4 =	simm.s32 @!p0 $0x0;
	(pc) =	sbr.rel .LBB1_1-.Ltmp0, $4  }
0xa: {  	s11 =	simm.s32 $0x0;
	s3 =	rddreg [dreg:$0x1];
	s5 =	sadd.s32 s4, s5  }
0xb: {  	_ =	strace $0x8000004A;
	s4 =	simm.s32 $0x1;
	s5 =	smul.u32 $0xC8, s5  }
0xc: {  	s6 =	sadd.s32 $0xC00, s6;
	s10 =	smov.u32 s2;
	[sflag:s4] =	ssyncpa.u1 $0x0  }
0xd: {  	p0 =	por $0x0, $0x0;
	[sflag:s7] =	ssyncpa.u1 $0x0;
	s7 =	sor.u32 $0x1, s5  }
.LBB1_4:
0xe: {  	s16 =	sshll.u32 s13, $0x3;
	s17 =	sand.u32 $0x78, s13  }
0xf: {  	s30 =	sand.u32 $0x7E00, s13;
	s12 =	sshll.u32 s12, $0xF;
	s16 =	sand.u32 $0xC00, s16  }
0x10: {  	[tilespmem:s15+$0x810 ss:$0x81] =	vst.msk $0xffff, v2;
	s31 =	sand.u32 $0x7, s13;
	s16 =	sor.u32 s17, s16;
	s17 =	sadd.s32 s3, s30  }
0x11: {  	[tilespmem:s15+$0x1020 ss:$0x81] =	vst.msk $0xffff, v0;
	s13 =	sshll.u32 s31, $0x12;
	s12 =	sadd.s32 s12, s17;
	s16 =	sshrl.u32 s16, $0x3  }
0x12: {  	[tilespmem:s15+$0x0 ss:$0x81] =	vst.msk $0xffff, v1;
	s13 =	sor.u32 $0x400, s13;
	s12 =	sadd.s32 s16, s12  }
0x13: {  	[hbm4b:s12+s13] =	stream.strided.scatter [tilespmem:s14], [sflag:$0x2], $0x2000, s8, s13, $0x20;
	[tilespmem:$0x8080] =	vst v63  }
.LBB1_5:
0x14: {  	s14 =	sadd.s32 $0x1, s9  }
0x15: {  	s12 =	sadd.s32 $0x1000, s10;
	s16 =	smov.u32 s10;
	p2 =	sgt.s32 s14, $0xC7  }
0x16: {  	s16 =	smov.u32 @p2 s12  }
0x17: {  	s14 =	simm.s32 @p2 $0x0;
	p2 =	sgt.s32 s16, $0xFFF  }
0x18: {  	s16 =	smov.u32 @p2 s2;
	p2 =	sne.s32 s11, s7  }
.Ltmp1:
0x19: {  	p1 =	slt.u32 s11, $0x2;
	(pc) =	sbr.rel @!p2 .LBB1_6-.Ltmp1, $4  }
0x1a: {  	s15 =	simm.s32 @!p1 $0x2  }
0x1b: {  	s13 =	smov.u32 s10;
	p0 =	por !p0, !p0;
	_ =	swait.ge @!p1 [sflag:s15], $0x2000  }
0x1c: {  	s12 =	smov.u32 s9;
	[sflag:s15] =	ssyncset.done @!p1 $0x0;
	s9 =	smov.u32 s14  }
0x1d: {  	s11 =	sadd.s32 $0x1, s11;
	[sflag:s15] =	ssyncadd.s32 @!p1 $0xFFFFE000;
	s10 =	smov.u32 s16  }
.LBB1_1:
0x1e: {  	p1 =	sge.u32 s11, s5  }
0x1f: {  	s14 =	sand.u32 @!p1 $0x1FFFFFF, s9  }
0x20: {  	s15 =	smulhi.u32 @!p1 $0x147AE15, s14;
	_ =	sdelay $0x1  }
0x21: {  	s15 =	smul.u32 @!p1 $0xC8, s15  }
0x22: {  	s16 =	sxor.u32 @!p1 $0xFFFFFFFF, s11;
	s17 =	smul.u32 @!p1 $0xC80, s10  }
0x23: {  	s31 =	sadd.s32 $0xFFFFFFFF, s11;
	s16 =	sshll.u32 @!p1 s16, $0xD;
	s14 =	ssub.s32 @!p1 s14, s15  }
0x24: {  	s15 =	sand.u32 @!p1 $0x2000, s16;
	s16 =	sadd.s32 @!p1 s6, s17;
	s14 =	sshll.u32 @!p1 s14, $0x4  }
0x25: {  	s17 =	simm.s32 @!p1 $0x6400;
	s14 =	sadd.s32 @!p1 s14, s16;
	s16 =	simm.s32 @!p1 $0x40  }
0x26: {  	[tilespmem:s15], [sflag:$0x1] =	stream.strided.gather @!p1 [hbm4b:s14+s16], $0x2000, s17, s16, $0x38;
	[tilespmem:$0x8080] =	vst v63  }
0x27: {  	p1 =	sge.u32 s31, s5  }
.Ltmp2:
0x28: {  	_ = 	snop;
	(pc) =	sbr.rel @p1 .LBB1_5-.Ltmp2, $1  }
0x29: {  	_ =	sdelay $0x3  }
0x2a: {  	s14 =	simm.s32 $0x1  }
0x2b: {  	_ =	swait.ge [sflag:s4], $0x2000;
	s14 =	simm.s32 @!p0 $0x0  }
0x2c: {  	[sflag:s4] =	ssyncset.done $0x0;
	s15 =	sshll.u32 s14, $0xD  }
0x2d: {  	[sflag:s4] =	ssyncadd.s32 $0xFFFFE000;
	s18 =	sor.u32 $0x20, s15  }
0x2e: {  	s14 =	smul.u32 $0x8100, s14;
	v3 =	vld [tilespmem:s18+$0x10]  }
0x2f: {  	s30 =	sand.u32 $0x1, s11;
	v2 =	vld [tilespmem:s18+$0xFFFFFFF0]  }
0x30: {  	s15 =	smul.u32 $0x8100, s30;
	s14 =	sshrl.u32 s14, $0x2;
	v0 =	vld [tilespmem:s18+$0x0]  }
0x31: {  	v1 =	vld [tilespmem:s18+$0xFFFFFFE0];
	s16 =	sor.u32 $0x4000, s14  }
0x32: {  	s31 =	sshrl.u32 s15, $0x2;
	s15 =	sadd.s32 $0x0, s16  }
0x33: {  	s17 =	simm.s32 $0x4;
	s18 =	sadd.s32 $0x40, s18;
	s14 =	sor.u32 $0x4000, s31;
	[tilespmem:s15+$0x1830 ss:$0x81] =	vst.msk $0xffff, v3  }
.LBB1_3:
0x34: {  	v3 =	vld [tilespmem:s18+$0x10];
	p1 =	sne.s32 s17, $0x1FC;
	[tilespmem:s15+$0x810 ss:$0x81] =	vst.msk $0xffff, v2;
	s19 =	smov.u32 s17;
	s17 =	sadd.s32 $0x4, s17  }
.Ltmp3:
0x35: {  	v2 =	vld [tilespmem:s18+$0xFFFFFFF0];
	[tilespmem:s15+$0x1020 ss:$0x81] =	vst.msk $0xffff, v0;
	(pc) =	sbr.rel @p1 .LBB1_3-.Ltmp3, $4  }
0x36: {  	v0 =	vld [tilespmem:s18+$0x0];
	[tilespmem:s15+$0x0 ss:$0x81] =	vst.msk $0xffff, v1  }
0x37: {  	s15 =	sshra.s32 s19, $0x2;
	v1 =	vld [tilespmem:s18+$0xFFFFFFE0]  }
0x38: {  	s15 =	sadd.s32 s15, s16  }
0x39: {  	s18 =	sadd.s32 $0x40, s18;
	[tilespmem:s15+$0x1830 ss:$0x81] =	vst.msk $0xffff, v3  }
.Ltmp4:
0x3a: {  	_ = 	snop;
	(pc) =	sbr.rel .LBB1_4-.Ltmp4, $1  }
0x3b: {  	_ =	sdelay $0x3  }
.LBB1_6:
0x3c: {  	_ =	sfence.sel $0x180000  }
0x3d: {  	s2 =	simm.s32 $0x1;
	[bflag:$0x0] =	sbarrier.arrive $0xFFFF  }
0x3e: {  	s31 =	simm.s32 $0x2;
	[sflag:s2] =	ssyncpa.u1 $0x1  }
0x3f: {  	[sflag:s31] =	ssyncpa.u1 $0x1  }
0x40: {  	p0 =	sne.s32 s0, $0x0;
	_ =	strace $0x9000004A  }
0x41: {  	s0 =	sadd.s32 @!p0 $0x100000, s1;
	[bflag:$0x2] =	sbarrier.arrive $0xFFFF  }
0x42: {  	[sflag:s0] =	ssyncadd.tile.s32 @!p0 $0x1;
	_ =	shalt  }
.Lfunc_end1:
_tile_overlayer_lowered:
.L_overlay_start_2:
0x43: {  	(tag) =	ssettag $0x2  }
0x44: {  	s0 =	rddreg [dreg:$0x0];
	s2 =	stileid.u32  }
0x45: {  	s1 =	rddreg [dreg:$0x1];
	p0 =	sne.s32 s2, $0x0  }
0x46: {  	s3 =	rddreg [dreg:$0x2];
	[bflag:$0x3] =	sbarrier.arrive $0xFFFF;
	s2 =	simm.s32 @!p0 $0x1C01  }
0x47: {  	[timem:s3], [sflag:s2] =	dma.local @!p0 [hbm:s0], s1  }
0x48: {  	s0 =	simm.s32 @!p0 $0x1  }
0x49: {  	_ =	swait.ge @!p0 [sflag:s0], s1  }
0x4a: {  	s1 =	ssub.s32 @!p0 $0x0, s1;
	[sflag:s0] =	ssyncset.done @!p0 $0x0  }
0x4b: {  	[sflag:s0] =	ssyncadd.s32 @!p0 s1  }
0x4c: {  	[bflag:$0x3] =	sbarrier.arrive $0xFFFF  }
0x4d: {  	_ =	shalt  }

</sc_bundles>
